<compile_context>
chip_gen: v7x
topology: tpu7x:2x2x1
jax: 0.10.2.dev20260603
libtpu: 0.0.44.dev20260713+nightly
codegen_flags: <defaults>
</compile_context>

<pallas_src>
import functools

import jax
import jax.numpy as jnp
from jax import lax
from jax.experimental import pallas as pl
from jax.experimental.pallas import tpu as pltpu
from jax.experimental.pallas import tpu_sc as plsc

N_EXAMINEES = 1000000
N_ITEMS = 100000
B = 16384

NC = 2
NS = 16
NW = NC * NS
L = 16

B_PER_W = B // NW
IDX_CHUNK = 128
N_IDX_CHUNKS = B_PER_W // IDX_CHUNK

T_BASE = 31248
T_VECS = T_BASE // L
T_EXTRA_W = 4
B_BASE = 3120
B_VECS = B_BASE // L
B_EXTRA_W = 10

T_UNROLL = 9
B_UNROLL = 5
N_ACC = 3
T_CHUNK_V = 651
T_NCHUNK = 3


def _sc_body(eid_hbm, iid_hbm, theta_hbm, alpha_hbm, beta_hbm,
             tg_out, ag_out, bg_out, part_out,
             theta_v, beta_v, idx_e, idx_i, tg_v, ag_v, bg_v, stage_v,
             sem_t, sem_b, sem_g, sem_i):
    wid = lax.axis_index("s") * NC + lax.axis_index("c")

    t_off = wid * T_BASE + L * jnp.minimum(wid, T_EXTRA_W)
    b_off = wid * B_BASE + L * jnp.minimum(wid, B_EXTRA_W)

    t_copies = [
        pltpu.async_copy(theta_hbm.at[pl.ds(t_off + c * T_CHUNK_V * L,
                                            T_CHUNK_V * L)],
                         theta_v.at[pl.ds(c * T_CHUNK_V * L, T_CHUNK_V * L)],
                         sem_t)
        for c in range(T_NCHUNK)
    ]
    b_copy = pltpu.async_copy(beta_hbm.at[pl.ds(b_off, B_BASE)],
                              beta_v.at[pl.ds(0, B_BASE)], sem_b)
    t_copy2 = pltpu.async_copy(theta_hbm.at[pl.ds(t_off + T_BASE, L)],
                               theta_v.at[pl.ds(T_BASE, L)], sem_t)
    b_copy2 = pltpu.async_copy(beta_hbm.at[pl.ds(b_off + B_BASE, L)],
                               beta_v.at[pl.ds(B_BASE, L)], sem_b)

    base = wid * B_PER_W
    e_copy = pltpu.async_copy(eid_hbm.at[pl.ds(base, B_PER_W)], idx_e, sem_i)
    i_copy = pltpu.async_copy(iid_hbm.at[pl.ds(base, B_PER_W)], idx_i, sem_i)
    e_copy.wait()
    i_copy.wait()
    gathers = [
        pltpu.async_copy(theta_hbm.at[idx_e], tg_v, sem_g),
        pltpu.async_copy(alpha_hbm.at[idx_i], ag_v, sem_g),
        pltpu.async_copy(beta_hbm.at[idx_i], bg_v, sem_g),
    ]

    zero = jnp.zeros((L,), jnp.float32)
    accs = tuple([zero] * (2 * N_ACC))

    def t_step(i, carry):
        acc = list(carry)
        for u in range(T_UNROLL):
            v = theta_v[pl.ds((i * T_UNROLL + u) * L, L)]
            a = u % N_ACC
            acc[2 * a] = acc[2 * a] + v
            acc[2 * a + 1] = acc[2 * a + 1] + v * v
        return tuple(acc)

    for c in range(T_NCHUNK):
        t_copies[c].wait()
        lo = c * T_CHUNK_V // T_UNROLL
        hi = (c + 1) * T_CHUNK_V // T_UNROLL
        accs = lax.fori_loop(lo, hi, t_step, accs)

    t_s = accs[0] + accs[2] + accs[4]
    t_q = accs[1] + accs[3] + accs[5]

    t_copy2.wait()

    @pl.when(wid < T_EXTRA_W)
    def _():
        v = theta_v[pl.ds(T_BASE, L)]
        stage_v[pl.ds(0, L)] = t_s + v
        stage_v[pl.ds(L, L)] = t_q + v * v

    @pl.when(wid >= T_EXTRA_W)
    def _():
        stage_v[pl.ds(0, L)] = t_s
        stage_v[pl.ds(L, L)] = t_q

    b_copy.wait()
    b_copy2.wait()

    def b_step(i, carry):
        acc = list(carry)
        for u in range(B_UNROLL):
            a = u % N_ACC
            acc[a] = acc[a] + beta_v[pl.ds((i * B_UNROLL + u) * L, L)]
        return tuple(acc)

    b_accs = lax.fori_loop(0, B_VECS // B_UNROLL, b_step, tuple([zero] * N_ACC))
    b_s = b_accs[0] + b_accs[1] + b_accs[2]

    @pl.when(wid < B_EXTRA_W)
    def _():
        stage_v[pl.ds(2 * L, L)] = b_s + beta_v[pl.ds(B_BASE, L)]

    @pl.when(wid >= B_EXTRA_W)
    def _():
        stage_v[pl.ds(2 * L, L)] = b_s

    p_copy = pltpu.async_copy(stage_v, part_out.at[wid], sem_i)

    for g in gathers:
        g.wait()
    out_copies = [
        pltpu.async_copy(tg_v, tg_out.at[pl.ds(base, B_PER_W)], sem_g),
        pltpu.async_copy(ag_v, ag_out.at[pl.ds(base, B_PER_W)], sem_g),
        pltpu.async_copy(bg_v, bg_out.at[pl.ds(base, B_PER_W)], sem_g),
    ]
    p_copy.wait()
    for c in out_copies:
        c.wait()


_sc_gather_reduce = functools.partial(
    pl.kernel,
    out_type=[
        jax.ShapeDtypeStruct((B,), jnp.float32),
        jax.ShapeDtypeStruct((B,), jnp.float32),
        jax.ShapeDtypeStruct((B,), jnp.float32),
        jax.ShapeDtypeStruct((NW, 3 * L), jnp.float32),
    ],
    mesh=plsc.VectorSubcoreMesh(core_axis_name="c", subcore_axis_name="s"),
    scratch_types=[
        pltpu.VMEM((T_BASE + L,), jnp.float32),
        pltpu.VMEM((B_BASE + L,), jnp.float32),
        pltpu.VMEM((B_PER_W,), jnp.int32),
        pltpu.VMEM((B_PER_W,), jnp.int32),
        pltpu.VMEM((B_PER_W,), jnp.float32),
        pltpu.VMEM((B_PER_W,), jnp.float32),
        pltpu.VMEM((B_PER_W,), jnp.float32),
        pltpu.VMEM((3 * L,), jnp.float32),
        pltpu.SemaphoreType.DMA,
        pltpu.SemaphoreType.DMA,
        pltpu.SemaphoreType.DMA,
        pltpu.SemaphoreType.DMA,
    ],
)(_sc_body)


def _tc_body(tg_ref, ag_ref, bg_ref, part_ref, out_ref):
    p = part_ref[...]
    t_sum = jnp.sum(p[:, 0:L])
    t_sq = jnp.sum(p[:, L:2 * L])
    b_sum = jnp.sum(p[:, 2 * L:3 * L])
    n = jnp.float32(N_EXAMINEES)
    mu_t = t_sum / n
    var = (t_sq - t_sum * t_sum / n) / (n - 1.0)
    inv_std = lax.rsqrt(var)
    mu_b = b_sum / jnp.float32(N_ITEMS)
    logit = ag_ref[...] * ((tg_ref[...] - mu_t) * inv_std - (bg_ref[...] - mu_b))
    out_ref[...] = 1.0 / (1.0 + jnp.exp(-logit))


def kernel(examinee_ids, item_ids, theta, alpha, beta):
    eid = examinee_ids.astype(jnp.int32)
    iid = item_ids.astype(jnp.int32)
    tg, ag, bg, part = _sc_gather_reduce(eid, iid, theta, alpha, beta)
    return pl.pallas_call(
        _tc_body,
        out_shape=jax.ShapeDtypeStruct((B,), jnp.float32),
    )(tg, ag, bg, part)

# --- scband reference (transcript-rebuilt; emitter-appended) ---
"""Pipeline reference for scband-simple2-pl-7928509628772 (READ-ONLY COPY).

The authoritative reference and input builder live on the scoring server;
editing this copy changes nothing except your own understanding.
"""

import jax, jax.numpy as jnp
import numpy as np

N_EXAMINEES = 1000000
N_ITEMS = 100000
B = 16384


def setup_inputs(seed: int = 0) -> dict:
    key = jax.random.key(seed)
    k1, k2, k3, k4, k5 = jax.random.split(key, 5)
    examinee_ids = jax.random.randint(k1, (B,), 0, N_EXAMINEES, dtype=jnp.int64 if jax.config.jax_enable_x64 else jnp.int32)
    item_ids = jax.random.randint(k2, (B,), 0, N_ITEMS, dtype=jnp.int64 if jax.config.jax_enable_x64 else jnp.int32)
    # learned parameters mirroring the torch module init
    theta = jax.random.normal(k3, (N_EXAMINEES,), dtype=jnp.float32)
    beta = jax.random.normal(k4, (N_ITEMS,), dtype=jnp.float32) * 0.1
    alpha = jnp.ones((N_ITEMS,), dtype=jnp.float32) + jax.random.normal(k5, (N_ITEMS,), dtype=jnp.float32) * 0.1
    return {"examinee_ids": examinee_ids, "item_ids": item_ids, "theta": theta, "alpha": alpha, "beta": beta}


def reference(examinee_ids, item_ids, theta, alpha, beta):
    # gathers (embedding lookups)
    theta_batch = jnp.take(theta, examinee_ids, axis=0)
    alpha_batch = jnp.take(alpha, item_ids, axis=0)
    beta_batch = jnp.take(beta, item_ids, axis=0)
    # center/scale using full-table statistics (torch .mean()/.std() -> ddof=1)
    theta_centered = theta_batch - jnp.mean(theta)
    theta_scaled = theta_centered / jnp.std(theta, ddof=1)  # 2PL branch
    beta_centered = beta_batch - jnp.mean(beta)
    logit = alpha_batch * (theta_scaled - beta_centered)
    prob = jax.nn.sigmoid(logit)
    return prob

if __name__ == "__main__":
    import jax
    _d = setup_inputs()
    print(jax.jit(kernel)(*tuple(_d.values())))

</pallas_src>

<mosaic_0001>
#map = affine_map<(d0, d1) -> (0)>
#map1 = affine_map<(d0, d1) -> (0, 0)>
module attributes {stable_mosaic.version = 14 : i64} {
  func.func @_sc_body(%arg0: i32, %arg1: i32, %arg2: memref<16384xi32, #tpu.memory_space<hbm>>, %arg3: memref<16384xi32, #tpu.memory_space<hbm>>, %arg4: memref<1000000xf32, #tpu.memory_space<hbm>>, %arg5: memref<100000xf32, #tpu.memory_space<hbm>>, %arg6: memref<100000xf32, #tpu.memory_space<hbm>>, %arg7: memref<16384xf32, #tpu.memory_space<hbm>>, %arg8: memref<16384xf32, #tpu.memory_space<hbm>>, %arg9: memref<16384xf32, #tpu.memory_space<hbm>>, %arg10: memref<32x48xf32, #tpu.memory_space<hbm>>, %arg11: memref<31264xf32, #tpu.memory_space<vmem>>, %arg12: memref<3136xf32, #tpu.memory_space<vmem>>, %arg13: memref<512xi32, #tpu.memory_space<vmem>>, %arg14: memref<512xi32, #tpu.memory_space<vmem>>, %arg15: memref<512xf32, #tpu.memory_space<vmem>>, %arg16: memref<512xf32, #tpu.memory_space<vmem>>, %arg17: memref<512xf32, #tpu.memory_space<vmem>>, %arg18: memref<48xf32, #tpu.memory_space<vmem>>, %arg19: memref<!tpu.dma_semaphore, #tpu.memory_space<semaphore_mem>>, %arg20: memref<!tpu.dma_semaphore, #tpu.memory_space<semaphore_mem>>, %arg21: memref<!tpu.dma_semaphore, #tpu.memory_space<semaphore_mem>>, %arg22: memref<!tpu.dma_semaphore, #tpu.memory_space<semaphore_mem>>) attributes {dimension_semantics = [#tpu.dimension_semantics<core_parallel>, #tpu.dimension_semantics<subcore_parallel>], iteration_bounds = array<i64: 2, 16>, scalar_prefetch = 0 : i64, scratch_operands = 12 : i64, tpu.core_type = #tpu.core_type<sc_vector_subcore>, window_params = [{transform_indices = #map}, {transform_indices = #map}, {transform_indices = #map}, {transform_indices = #map}, {transform_indices = #map}, {transform_indices = #map}, {transform_indices = #map}, {transform_indices = #map}, {transform_indices = #map1}]} {
    %mul3A = arith.constant 2 : i32
    %mul3A_0 = arith.muli %arg1, %mul3A : i32
    %add3A = arith.addi %mul3A_0, %arg0 : i32
    %mul3A_1 = arith.constant 31248 : i32
    %mul3A_2 = arith.muli %add3A, %mul3A_1 : i32
    %min3A = arith.constant 4 : i32
    %min3A_3 = arith.minsi %add3A, %min3A : i32
    %mul3A_4 = arith.constant 16 : i32
    %mul3A_5 = arith.muli %mul3A_4, %min3A_3 : i32
    %add3A_6 = arith.addi %mul3A_2, %mul3A_5 : i32
    %mul3A_7 = arith.constant 3120 : i32
    %mul3A_8 = arith.muli %add3A, %mul3A_7 : i32
    %min3A_9 = arith.constant 10 : i32
    %min3A_10 = arith.minsi %add3A, %min3A_9 : i32
    %mul3A_11 = arith.constant 16 : i32
    %mul3A_12 = arith.muli %mul3A_11, %min3A_10 : i32
    %add3A_13 = arith.addi %mul3A_8, %mul3A_12 : i32
    %add3A_14 = arith.constant 0 : i32
    %add3A_15 = arith.addi %add3A_6, %add3A_14 : i32
    %dma_start3A = arith.constant 0 : i32
    %dma_start3A_16 = tpu.memref_slice %arg11[%dma_start3A] : memref<31264xf32, #tpu.memory_space<vmem>> -> memref<10416xf32, #tpu.memory_space<vmem>>
    %dma_start3A_17 = tpu.memref_slice %arg4[%add3A_15] : memref<1000000xf32, #tpu.memory_space<hbm>> -> memref<10416xf32, #tpu.memory_space<hbm>>
    %dma_start3A_18 = arith.constant 0 : i32
    %dma_start3A_19 = tpu.memref_slice %arg11[%dma_start3A_18] : memref<31264xf32, #tpu.memory_space<vmem>> -> memref<10416xf32, #tpu.memory_space<vmem>>
    %dma_start3A_20 = tpu.memref_slice %arg4[%add3A_15] : memref<1000000xf32, #tpu.memory_space<hbm>> -> memref<10416xf32, #tpu.memory_space<hbm>>
    tpu.enqueue_dma source(%dma_start3A_20 : memref<10416xf32, #tpu.memory_space<hbm>>) target(%dma_start3A_19 : memref<10416xf32, #tpu.memory_space<vmem>>) target_semaphore(%arg19 : memref<!tpu.dma_semaphore, #tpu.memory_space<semaphore_mem>>)
    %add3A_21 = arith.constant 10416 : i32
    %add3A_22 = arith.addi %add3A_6, %add3A_21 : i32
    %dma_start3A_23 = arith.constant 10416 : i32
    %dma_start3A_24 = tpu.memref_slice %arg11[%dma_start3A_23] : memref<31264xf32, #tpu.memory_space<vmem>> -> memref<10416xf32, #tpu.memory_space<vmem>>
    %dma_start3A_25 = tpu.memref_slice %arg4[%add3A_22] : memref<1000000xf32, #tpu.memory_space<hbm>> -> memref<10416xf32, #tpu.memory_space<hbm>>
    %dma_start3A_26 = arith.constant 10416 : i32
    %dma_start3A_27 = tpu.memref_slice %arg11[%dma_start3A_26] : memref<31264xf32, #tpu.memory_space<vmem>> -> memref<10416xf32, #tpu.memory_space<vmem>>
    %dma_start3A_28 = tpu.memref_slice %arg4[%add3A_22] : memref<1000000xf32, #tpu.memory_space<hbm>> -> memref<10416xf32, #tpu.memory_space<hbm>>
    tpu.enqueue_dma source(%dma_start3A_28 : memref<10416xf32, #tpu.memory_space<hbm>>) target(%dma_start3A_27 : memref<10416xf32, #tpu.memory_space<vmem>>) target_semaphore(%arg19 : memref<!tpu.dma_semaphore, #tpu.memory_space<semaphore_mem>>)
    %add3A_29 = arith.constant 20832 : i32
    %add3A_30 = arith.addi %add3A_6, %add3A_29 : i32
    %dma_start3A_31 = arith.constant 20832 : i32
    %dma_start3A_32 = tpu.memref_slice %arg11[%dma_start3A_31] : memref<31264xf32, #tpu.memory_space<vmem>> -> memref<10416xf32, #tpu.memory_space<vmem>>
    %dma_start3A_33 = tpu.memref_slice %arg4[%add3A_30] : memref<1000000xf32, #tpu.memory_space<hbm>> -> memref<10416xf32, #tpu.memory_space<hbm>>
    %dma_start3A_34 = arith.constant 20832 : i32
    %dma_start3A_35 = tpu.memref_slice %arg11[%dma_start3A_34] : memref<31264xf32, #tpu.memory_space<vmem>> -> memref<10416xf32, #tpu.memory_space<vmem>>
    %dma_start3A_36 = tpu.memref_slice %arg4[%add3A_30] : memref<1000000xf32, #tpu.memory_space<hbm>> -> memref<10416xf32, #tpu.memory_space<hbm>>
    tpu.enqueue_dma source(%dma_start3A_36 : memref<10416xf32, #tpu.memory_space<hbm>>) target(%dma_start3A_35 : memref<10416xf32, #tpu.memory_space<vmem>>) target_semaphore(%arg19 : memref<!tpu.dma_semaphore, #tpu.memory_space<semaphore_mem>>)
    %dma_start3A_37 = arith.constant 0 : i32
    %dma_start3A_38 = tpu.memref_slice %arg12[%dma_start3A_37] : memref<3136xf32, #tpu.memory_space<vmem>> -> memref<3120xf32, #tpu.memory_space<vmem>>
    %dma_start3A_39 = tpu.memref_slice %arg6[%add3A_13] : memref<100000xf32, #tpu.memory_space<hbm>> -> memref<3120xf32, #tpu.memory_space<hbm>>
    %dma_start3A_40 = arith.constant 0 : i32
    %dma_start3A_41 = tpu.memref_slice %arg12[%dma_start3A_40] : memref<3136xf32, #tpu.memory_space<vmem>> -> memref<3120xf32, #tpu.memory_space<vmem>>
    %dma_start3A_42 = tpu.memref_slice %arg6[%add3A_13] : memref<100000xf32, #tpu.memory_space<hbm>> -> memref<3120xf32, #tpu.memory_space<hbm>>
    tpu.enqueue_dma source(%dma_start3A_42 : memref<3120xf32, #tpu.memory_space<hbm>>) target(%dma_start3A_41 : memref<3120xf32, #tpu.memory_space<vmem>>) target_semaphore(%arg20 : memref<!tpu.dma_semaphore, #tpu.memory_space<semaphore_mem>>)
    %add3A_43 = arith.constant 31248 : i32
    %add3A_44 = arith.addi %add3A_6, %add3A_43 : i32
    %dma_start3A_45 = arith.constant 31248 : i32
    %dma_start3A_46 = tpu.memref_slice %arg11[%dma_start3A_45] : memref<31264xf32, #tpu.memory_space<vmem>> -> memref<16xf32, #tpu.memory_space<vmem>>
    %dma_start3A_47 = tpu.memref_slice %arg4[%add3A_44] : memref<1000000xf32, #tpu.memory_space<hbm>> -> memref<16xf32, #tpu.memory_space<hbm>>
    %dma_start3A_48 = arith.constant 31248 : i32
    %dma_start3A_49 = tpu.memref_slice %arg11[%dma_start3A_48] : memref<31264xf32, #tpu.memory_space<vmem>> -> memref<16xf32, #tpu.memory_space<vmem>>
    %dma_start3A_50 = tpu.memref_slice %arg4[%add3A_44] : memref<1000000xf32, #tpu.memory_space<hbm>> -> memref<16xf32, #tpu.memory_space<hbm>>
    tpu.enqueue_dma source(%dma_start3A_50 : memref<16xf32, #tpu.memory_space<hbm>>) target(%dma_start3A_49 : memref<16xf32, #tpu.memory_space<vmem>>) target_semaphore(%arg19 : memref<!tpu.dma_semaphore, #tpu.memory_space<semaphore_mem>>)
    %add3A_51 = arith.constant 3120 : i32
    %add3A_52 = arith.addi %add3A_13, %add3A_51 : i32
    %dma_start3A_53 = arith.constant 3120 : i32
    %dma_start3A_54 = tpu.memref_slice %arg12[%dma_start3A_53] : memref<3136xf32, #tpu.memory_space<vmem>> -> memref<16xf32, #tpu.memory_space<vmem>>
    %dma_start3A_55 = tpu.memref_slice %arg6[%add3A_52] : memref<100000xf32, #tpu.memory_space<hbm>> -> memref<16xf32, #tpu.memory_space<hbm>>
    %dma_start3A_56 = arith.constant 3120 : i32
    %dma_start3A_57 = tpu.memref_slice %arg12[%dma_start3A_56] : memref<3136xf32, #tpu.memory_space<vmem>> -> memref<16xf32, #tpu.memory_space<vmem>>
    %dma_start3A_58 = tpu.memref_slice %arg6[%add3A_52] : memref<100000xf32, #tpu.memory_space<hbm>> -> memref<16xf32, #tpu.memory_space<hbm>>
    tpu.enqueue_dma source(%dma_start3A_58 : memref<16xf32, #tpu.memory_space<hbm>>) target(%dma_start3A_57 : memref<16xf32, #tpu.memory_space<vmem>>) target_semaphore(%arg20 : memref<!tpu.dma_semaphore, #tpu.memory_space<semaphore_mem>>)
    %mul3A_59 = arith.constant 512 : i32
    %mul3A_60 = arith.muli %add3A, %mul3A_59 : i32
    %dma_start3A_61 = tpu.memref_slice %arg2[%mul3A_60] : memref<16384xi32, #tpu.memory_space<hbm>> -> memref<512xi32, #tpu.memory_space<hbm>>
    %dma_start3A_62 = tpu.memref_slice %arg2[%mul3A_60] : memref<16384xi32, #tpu.memory_space<hbm>> -> memref<512xi32, #tpu.memory_space<hbm>>
    tpu.enqueue_dma source(%dma_start3A_62 : memref<512xi32, #tpu.memory_space<hbm>>) target(%arg13 : memref<512xi32, #tpu.memory_space<vmem>>) target_semaphore(%arg22 : memref<!tpu.dma_semaphore, #tpu.memory_space<semaphore_mem>>)
    %dma_start3A_63 = tpu.memref_slice %arg3[%mul3A_60] : memref<16384xi32, #tpu.memory_space<hbm>> -> memref<512xi32, #tpu.memory_space<hbm>>
    %dma_start3A_64 = tpu.memref_slice %arg3[%mul3A_60] : memref<16384xi32, #tpu.memory_space<hbm>> -> memref<512xi32, #tpu.memory_space<hbm>>
    tpu.enqueue_dma source(%dma_start3A_64 : memref<512xi32, #tpu.memory_space<hbm>>) target(%arg14 : memref<512xi32, #tpu.memory_space<vmem>>) target_semaphore(%arg22 : memref<!tpu.dma_semaphore, #tpu.memory_space<semaphore_mem>>)
    %dma_wait3A = tpu.memref_slice %arg2[%mul3A_60] : memref<16384xi32, #tpu.memory_space<hbm>> -> memref<512xi32, #tpu.memory_space<hbm>>
    %dma_wait3A_65 = tpu.memref_slice %arg2[%mul3A_60] : memref<16384xi32, #tpu.memory_space<hbm>> -> memref<512xi32, #tpu.memory_space<hbm>>
    tpu.wait_dma2 semaphore(%arg22 : memref<!tpu.dma_semaphore, #tpu.memory_space<semaphore_mem>>) src(%dma_wait3A_65 : memref<512xi32, #tpu.memory_space<hbm>>) dst(%arg13 : memref<512xi32, #tpu.memory_space<vmem>>)
    %dma_wait3A_66 = tpu.memref_slice %arg3[%mul3A_60] : memref<16384xi32, #tpu.memory_space<hbm>> -> memref<512xi32, #tpu.memory_space<hbm>>
    %dma_wait3A_67 = tpu.memref_slice %arg3[%mul3A_60] : memref<16384xi32, #tpu.memory_space<hbm>> -> memref<512xi32, #tpu.memory_space<hbm>>
    tpu.wait_dma2 semaphore(%arg22 : memref<!tpu.dma_semaphore, #tpu.memory_space<semaphore_mem>>) src(%dma_wait3A_67 : memref<512xi32, #tpu.memory_space<hbm>>) dst(%arg14 : memref<512xi32, #tpu.memory_space<vmem>>)
    %dma_start3A_68 = arith.constant 0 : i32
    %dma_start3A_69 = tpu.memref_slice %arg4[%dma_start3A_68] : memref<1000000xf32, #tpu.memory_space<hbm>> -> memref<1000000xf32, #tpu.memory_space<hbm>>
    tpu.enqueue_indirect_dma source(%dma_start3A_69 : memref<1000000xf32, #tpu.memory_space<hbm>>) target(%arg15 : memref<512xf32, #tpu.memory_space<vmem>>) offsets(%arg13 : memref<512xi32, #tpu.memory_space<vmem>>) semaphore(%arg21 : memref<!tpu.dma_semaphore, #tpu.memory_space<semaphore_mem>>)
    %dma_start3A_70 = arith.constant 0 : i32
    %dma_start3A_71 = tpu.memref_slice %arg5[%dma_start3A_70] : memref<100000xf32, #tpu.memory_space<hbm>> -> memref<100000xf32, #tpu.memory_space<hbm>>
    tpu.enqueue_indirect_dma source(%dma_start3A_71 : memref<100000xf32, #tpu.memory_space<hbm>>) target(%arg16 : memref<512xf32, #tpu.memory_space<vmem>>) offsets(%arg14 : memref<512xi32, #tpu.memory_space<vmem>>) semaphore(%arg21 : memref<!tpu.dma_semaphore, #tpu.memory_space<semaphore_mem>>)
    %dma_start3A_72 = arith.constant 0 : i32
    %dma_start3A_73 = tpu.memref_slice %arg6[%dma_start3A_72] : memref<100000xf32, #tpu.memory_space<hbm>> -> memref<100000xf32, #tpu.memory_space<hbm>>
    tpu.enqueue_indirect_dma source(%dma_start3A_73 : memref<100000xf32, #tpu.memory_space<hbm>>) target(%arg17 : memref<512xf32, #tpu.memory_space<vmem>>) offsets(%arg14 : memref<512xi32, #tpu.memory_space<vmem>>) semaphore(%arg21 : memref<!tpu.dma_semaphore, #tpu.memory_space<semaphore_mem>>)
    %broadcast_in_dim3A = arith.constant 0.000000e+00 : f32
    %broadcast_in_dim3A_74 = vector.broadcast %broadcast_in_dim3A : f32 to vector<16xf32>
    %dma_wait3A_75 = arith.constant 0 : i32
    %dma_wait3A_76 = tpu.memref_slice %arg11[%dma_wait3A_75] : memref<31264xf32, #tpu.memory_space<vmem>> -> memref<10416xf32, #tpu.memory_space<vmem>>
    %dma_wait3A_77 = tpu.memref_slice %arg4[%add3A_15] : memref<1000000xf32, #tpu.memory_space<hbm>> -> memref<10416xf32, #tpu.memory_space<hbm>>
    %dma_wait3A_78 = arith.constant 0 : i32
    %dma_wait3A_79 = tpu.memref_slice %arg11[%dma_wait3A_78] : memref<31264xf32, #tpu.memory_space<vmem>> -> memref<10416xf32, #tpu.memory_space<vmem>>
    %dma_wait3A_80 = tpu.memref_slice %arg4[%add3A_15] : memref<1000000xf32, #tpu.memory_space<hbm>> -> memref<10416xf32, #tpu.memory_space<hbm>>
    tpu.wait_dma2 semaphore(%arg19 : memref<!tpu.dma_semaphore, #tpu.memory_space<semaphore_mem>>) src(%dma_wait3A_80 : memref<10416xf32, #tpu.memory_space<hbm>>) dst(%dma_wait3A_79 : memref<10416xf32, #tpu.memory_space<vmem>>)
    %scan3A = arith.constant 0 : i32
    %scan3A_81 = arith.constant 72 : i32
    %scan3A_82 = arith.addi %scan3A, %scan3A_81 : i32
    %scan3A_83 = arith.constant 1 : i32
    %scan3A_84:6 = scf.for %scan3A_186 = %scan3A to %scan3A_82 step %scan3A_83 iter_args(%scan3A_187 = %broadcast_in_dim3A_74, %scan3A_188 = %broadcast_in_dim3A_74, %scan3A_189 = %broadcast_in_dim3A_74, %scan3A_190 = %broadcast_in_dim3A_74, %scan3A_191 = %broadcast_in_dim3A_74, %scan3A_192 = %broadcast_in_dim3A_74) -> (vector<16xf32>, vector<16xf32>, vector<16xf32>, vector<16xf32>, vector<16xf32>, vector<16xf32>)  : i32 {
      %mul3A_193 = arith.constant 9 : i32
      %mul3A_194 = arith.muli %scan3A_186, %mul3A_193 : i32
      %add3A_195 = arith.constant 0 : i32
      %add3A_196 = arith.addi %mul3A_194, %add3A_195 : i32
      %mul3A_197 = arith.constant 16 : i32
      %mul3A_198 = arith.muli %add3A_196, %mul3A_197 : i32
      %get3A = arith.index_cast %mul3A_198 : i32 to index
      %get3A_199 = tpu.vector_load %arg11[%get3A] {strides = array<i32>} : memref<31264xf32, #tpu.memory_space<vmem>>, vector<16xf32>,
      %get3A_200 = vector.shape_cast %get3A_199 : vector<16xf32> to vector<16xf32>
      %add3A_201 = arith.addf %scan3A_187, %get3A_200 : vector<16xf32>
      %mul3A_202 = arith.mulf %get3A_200, %get3A_200 : vector<16xf32>
      %add3A_203 = arith.addf %scan3A_188, %mul3A_202 : vector<16xf32>
      %mul3A_204 = arith.constant 9 : i32
      %mul3A_205 = arith.muli %scan3A_186, %mul3A_204 : i32
      %add3A_206 = arith.constant 1 : i32
      %add3A_207 = arith.addi %mul3A_205, %add3A_206 : i32
      %mul3A_208 = arith.constant 16 : i32
      %mul3A_209 = arith.muli %add3A_207, %mul3A_208 : i32
      %get3A_210 = arith.index_cast %mul3A_209 : i32 to index
      %get3A_211 = tpu.vector_load %arg11[%get3A_210] {strides = array<i32>} : memref<31264xf32, #tpu.memory_space<vmem>>, vector<16xf32>,
      %get3A_212 = vector.shape_cast %get3A_211 : vector<16xf32> to vector<16xf32>
      %add3A_213 = arith.addf %scan3A_189, %get3A_212 : vector<16xf32>
      %mul3A_214 = arith.mulf %get3A_212, %get3A_212 : vector<16xf32>
      %add3A_215 = arith.addf %scan3A_190, %mul3A_214 : vector<16xf32>
      %mul3A_216 = arith.constant 9 : i32
      %mul3A_217 = arith.muli %scan3A_186, %mul3A_216 : i32
      %add3A_218 = arith.constant 2 : i32
      %add3A_219 = arith.addi %mul3A_217, %add3A_218 : i32
      %mul3A_220 = arith.constant 16 : i32
      %mul3A_221 = arith.muli %add3A_219, %mul3A_220 : i32
      %get3A_222 = arith.index_cast %mul3A_221 : i32 to index
      %get3A_223 = tpu.vector_load %arg11[%get3A_222] {strides = array<i32>} : memref<31264xf32, #tpu.memory_space<vmem>>, vector<16xf32>,
      %get3A_224 = vector.shape_cast %get3A_223 : vector<16xf32> to vector<16xf32>
      %add3A_225 = arith.addf %scan3A_191, %get3A_224 : vector<16xf32>
      %mul3A_226 = arith.mulf %get3A_224, %get3A_224 : vector<16xf32>
      %add3A_227 = arith.addf %scan3A_192, %mul3A_226 : vector<16xf32>
      %mul3A_228 = arith.constant 9 : i32
      %mul3A_229 = arith.muli %scan3A_186, %mul3A_228 : i32
      %add3A_230 = arith.constant 3 : i32
      %add3A_231 = arith.addi %mul3A_229, %add3A_230 : i32
      %mul3A_232 = arith.constant 16 : i32
      %mul3A_233 = arith.muli %add3A_231, %mul3A_232 : i32
      %get3A_234 = arith.index_cast %mul3A_233 : i32 to index
      %get3A_235 = tpu.vector_load %arg11[%get3A_234] {strides = array<i32>} : memref<31264xf32, #tpu.memory_space<vmem>>, vector<16xf32>,
      %get3A_236 = vector.shape_cast %get3A_235 : vector<16xf32> to vector<16xf32>
      %add3A_237 = arith.addf %add3A_201, %get3A_236 : vector<16xf32>
      %mul3A_238 = arith.mulf %get3A_236, %get3A_236 : vector<16xf32>
      %add3A_239 = arith.addf %add3A_203, %mul3A_238 : vector<16xf32>
      %mul3A_240 = arith.constant 9 : i32
      %mul3A_241 = arith.muli %scan3A_186, %mul3A_240 : i32
      %add3A_242 = arith.constant 4 : i32
      %add3A_243 = arith.addi %mul3A_241, %add3A_242 : i32
      %mul3A_244 = arith.constant 16 : i32
      %mul3A_245 = arith.muli %add3A_243, %mul3A_244 : i32
      %get3A_246 = arith.index_cast %mul3A_245 : i32 to index
      %get3A_247 = tpu.vector_load %arg11[%get3A_246] {strides = array<i32>} : memref<31264xf32, #tpu.memory_space<vmem>>, vector<16xf32>,
      %get3A_248 = vector.shape_cast %get3A_247 : vector<16xf32> to vector<16xf32>
      %add3A_249 = arith.addf %add3A_213, %get3A_248 : vector<16xf32>
      %mul3A_250 = arith.mulf %get3A_248, %get3A_248 : vector<16xf32>
      %add3A_251 = arith.addf %add3A_215, %mul3A_250 : vector<16xf32>
      %mul3A_252 = arith.constant 9 : i32
      %mul3A_253 = arith.muli %scan3A_186, %mul3A_252 : i32
      %add3A_254 = arith.constant 5 : i32
      %add3A_255 = arith.addi %mul3A_253, %add3A_254 : i32
      %mul3A_256 = arith.constant 16 : i32
      %mul3A_257 = arith.muli %add3A_255, %mul3A_256 : i32
      %get3A_258 = arith.index_cast %mul3A_257 : i32 to index
      %get3A_259 = tpu.vector_load %arg11[%get3A_258] {strides = array<i32>} : memref<31264xf32, #tpu.memory_space<vmem>>, vector<16xf32>,
      %get3A_260 = vector.shape_cast %get3A_259 : vector<16xf32> to vector<16xf32>
      %add3A_261 = arith.addf %add3A_225, %get3A_260 : vector<16xf32>
      %mul3A_262 = arith.mulf %get3A_260, %get3A_260 : vector<16xf32>
      %add3A_263 = arith.addf %add3A_227, %mul3A_262 : vector<16xf32>
      %mul3A_264 = arith.constant 9 : i32
      %mul3A_265 = arith.muli %scan3A_186, %mul3A_264 : i32
      %add3A_266 = arith.constant 6 : i32
      %add3A_267 = arith.addi %mul3A_265, %add3A_266 : i32
      %mul3A_268 = arith.constant 16 : i32
      %mul3A_269 = arith.muli %add3A_267, %mul3A_268 : i32
      %get3A_270 = arith.index_cast %mul3A_269 : i32 to index
      %get3A_271 = tpu.vector_load %arg11[%get3A_270] {strides = array<i32>} : memref<31264xf32, #tpu.memory_space<vmem>>, vector<16xf32>,
      %get3A_272 = vector.shape_cast %get3A_271 : vector<16xf32> to vector<16xf32>
      %add3A_273 = arith.addf %add3A_237, %get3A_272 : vector<16xf32>
      %mul3A_274 = arith.mulf %get3A_272, %get3A_272 : vector<16xf32>
      %add3A_275 = arith.addf %add3A_239, %mul3A_274 : vector<16xf32>
      %mul3A_276 = arith.constant 9 : i32
      %mul3A_277 = arith.muli %scan3A_186, %mul3A_276 : i32
      %add3A_278 = arith.constant 7 : i32
      %add3A_279 = arith.addi %mul3A_277, %add3A_278 : i32
      %mul3A_280 = arith.constant 16 : i32
      %mul3A_281 = arith.muli %add3A_279, %mul3A_280 : i32
      %get3A_282 = arith.index_cast %mul3A_281 : i32 to index
      %get3A_283 = tpu.vector_load %arg11[%get3A_282] {strides = array<i32>} : memref<31264xf32, #tpu.memory_space<vmem>>, vector<16xf32>,
      %get3A_284 = vector.shape_cast %get3A_283 : vector<16xf32> to vector<16xf32>
      %add3A_285 = arith.addf %add3A_249, %get3A_284 : vector<16xf32>
      %mul3A_286 = arith.mulf %get3A_284, %get3A_284 : vector<16xf32>
      %add3A_287 = arith.addf %add3A_251, %mul3A_286 : vector<16xf32>
      %mul3A_288 = arith.constant 9 : i32
      %mul3A_289 = arith.muli %scan3A_186, %mul3A_288 : i32
      %add3A_290 = arith.constant 8 : i32
      %add3A_291 = arith.addi %mul3A_289, %add3A_290 : i32
      %mul3A_292 = arith.constant 16 : i32
      %mul3A_293 = arith.muli %add3A_291, %mul3A_292 : i32
      %get3A_294 = arith.index_cast %mul3A_293 : i32 to index
      %get3A_295 = tpu.vector_load %arg11[%get3A_294] {strides = array<i32>} : memref<31264xf32, #tpu.memory_space<vmem>>, vector<16xf32>,
      %get3A_296 = vector.shape_cast %get3A_295 : vector<16xf32> to vector<16xf32>
      %add3A_297 = arith.addf %add3A_261, %get3A_296 : vector<16xf32>
      %mul3A_298 = arith.mulf %get3A_296, %get3A_296 : vector<16xf32>
      %add3A_299 = arith.addf %add3A_263, %mul3A_298 : vector<16xf32>
      scf.yield %add3A_273, %add3A_275, %add3A_285, %add3A_287, %add3A_297, %add3A_299 : vector<16xf32>, vector<16xf32>, vector<16xf32>, vector<16xf32>, vector<16xf32>, vector<16xf32>
    }
    %scan3A_85 = arith.constant 72 : i32
    %dma_wait3A_86 = arith.constant 10416 : i32
    %dma_wait3A_87 = tpu.memref_slice %arg11[%dma_wait3A_86] : memref<31264xf32, #tpu.memory_space<vmem>> -> memref<10416xf32, #tpu.memory_space<vmem>>
    %dma_wait3A_88 = tpu.memref_slice %arg4[%add3A_22] : memref<1000000xf32, #tpu.memory_space<hbm>> -> memref<10416xf32, #tpu.memory_space<hbm>>
    %dma_wait3A_89 = arith.constant 10416 : i32
    %dma_wait3A_90 = tpu.memref_slice %arg11[%dma_wait3A_89] : memref<31264xf32, #tpu.memory_space<vmem>> -> memref<10416xf32, #tpu.memory_space<vmem>>
    %dma_wait3A_91 = tpu.memref_slice %arg4[%add3A_22] : memref<1000000xf32, #tpu.memory_space<hbm>> -> memref<10416xf32, #tpu.memory_space<hbm>>
    tpu.wait_dma2 semaphore(%arg19 : memref<!tpu.dma_semaphore, #tpu.memory_space<semaphore_mem>>) src(%dma_wait3A_91 : memref<10416xf32, #tpu.memory_space<hbm>>) dst(%dma_wait3A_90 : memref<10416xf32, #tpu.memory_space<vmem>>)
    %scan3A_92 = arith.constant 72 : i32
    %scan3A_93 = arith.constant 72 : i32
    %scan3A_94 = arith.addi %scan3A_92, %scan3A_93 : i32
    %scan3A_95 = arith.constant 1 : i32
    %scan3A_96:6 = scf.for %scan3A_186 = %scan3A_92 to %scan3A_94 step %scan3A_95 iter_args(%scan3A_187 = %scan3A_84#0, %scan3A_188 = %scan3A_84#1, %scan3A_189 = %scan3A_84#2, %scan3A_190 = %scan3A_84#3, %scan3A_191 = %scan3A_84#4, %scan3A_192 = %scan3A_84#5) -> (vector<16xf32>, vector<16xf32>, vector<16xf32>, vector<16xf32>, vector<16xf32>, vector<16xf32>)  : i32 {
      %mul3A_193 = arith.constant 9 : i32
      %mul3A_194 = arith.muli %scan3A_186, %mul3A_193 : i32
      %add3A_195 = arith.constant 0 : i32
      %add3A_196 = arith.addi %mul3A_194, %add3A_195 : i32
      %mul3A_197 = arith.constant 16 : i32
      %mul3A_198 = arith.muli %add3A_196, %mul3A_197 : i32
      %get3A = arith.index_cast %mul3A_198 : i32 to index
      %get3A_199 = tpu.vector_load %arg11[%get3A] {strides = array<i32>} : memref<31264xf32, #tpu.memory_space<vmem>>, vector<16xf32>,
      %get3A_200 = vector.shape_cast %get3A_199 : vector<16xf32> to vector<16xf32>
      %add3A_201 = arith.addf %scan3A_187, %get3A_200 : vector<16xf32>
      %mul3A_202 = arith.mulf %get3A_200, %get3A_200 : vector<16xf32>
      %add3A_203 = arith.addf %scan3A_188, %mul3A_202 : vector<16xf32>
      %mul3A_204 = arith.constant 9 : i32
      %mul3A_205 = arith.muli %scan3A_186, %mul3A_204 : i32
      %add3A_206 = arith.constant 1 : i32
      %add3A_207 = arith.addi %mul3A_205, %add3A_206 : i32
      %mul3A_208 = arith.constant 16 : i32
      %mul3A_209 = arith.muli %add3A_207, %mul3A_208 : i32
      %get3A_210 = arith.index_cast %mul3A_209 : i32 to index
      %get3A_211 = tpu.vector_load %arg11[%get3A_210] {strides = array<i32>} : memref<31264xf32, #tpu.memory_space<vmem>>, vector<16xf32>,
      %get3A_212 = vector.shape_cast %get3A_211 : vector<16xf32> to vector<16xf32>
      %add3A_213 = arith.addf %scan3A_189, %get3A_212 : vector<16xf32>
      %mul3A_214 = arith.mulf %get3A_212, %get3A_212 : vector<16xf32>
      %add3A_215 = arith.addf %scan3A_190, %mul3A_214 : vector<16xf32>
      %mul3A_216 = arith.constant 9 : i32
      %mul3A_217 = arith.muli %scan3A_186, %mul3A_216 : i32
      %add3A_218 = arith.constant 2 : i32
      %add3A_219 = arith.addi %mul3A_217, %add3A_218 : i32
      %mul3A_220 = arith.constant 16 : i32
      %mul3A_221 = arith.muli %add3A_219, %mul3A_220 : i32
      %get3A_222 = arith.index_cast %mul3A_221 : i32 to index
      %get3A_223 = tpu.vector_load %arg11[%get3A_222] {strides = array<i32>} : memref<31264xf32, #tpu.memory_space<vmem>>, vector<16xf32>,
      %get3A_224 = vector.shape_cast %get3A_223 : vector<16xf32> to vector<16xf32>
      %add3A_225 = arith.addf %scan3A_191, %get3A_224 : vector<16xf32>
      %mul3A_226 = arith.mulf %get3A_224, %get3A_224 : vector<16xf32>
      %add3A_227 = arith.addf %scan3A_192, %mul3A_226 : vector<16xf32>
      %mul3A_228 = arith.constant 9 : i32
      %mul3A_229 = arith.muli %scan3A_186, %mul3A_228 : i32
      %add3A_230 = arith.constant 3 : i32
      %add3A_231 = arith.addi %mul3A_229, %add3A_230 : i32
      %mul3A_232 = arith.constant 16 : i32
      %mul3A_233 = arith.muli %add3A_231, %mul3A_232 : i32
      %get3A_234 = arith.index_cast %mul3A_233 : i32 to index
      %get3A_235 = tpu.vector_load %arg11[%get3A_234] {strides = array<i32>} : memref<31264xf32, #tpu.memory_space<vmem>>, vector<16xf32>,
      %get3A_236 = vector.shape_cast %get3A_235 : vector<16xf32> to vector<16xf32>
      %add3A_237 = arith.addf %add3A_201, %get3A_236 : vector<16xf32>
      %mul3A_238 = arith.mulf %get3A_236, %get3A_236 : vector<16xf32>
      %add3A_239 = arith.addf %add3A_203, %mul3A_238 : vector<16xf32>
      %mul3A_240 = arith.constant 9 : i32
      %mul3A_241 = arith.muli %scan3A_186, %mul3A_240 : i32
      %add3A_242 = arith.constant 4 : i32
      %add3A_243 = arith.addi %mul3A_241, %add3A_242 : i32
      %mul3A_244 = arith.constant 16 : i32
      %mul3A_245 = arith.muli %add3A_243, %mul3A_244 : i32
      %get3A_246 = arith.index_cast %mul3A_245 : i32 to index
      %get3A_247 = tpu.vector_load %arg11[%get3A_246] {strides = array<i32>} : memref<31264xf32, #tpu.memory_space<vmem>>, vector<16xf32>,
      %get3A_248 = vector.shape_cast %get3A_247 : vector<16xf32> to vector<16xf32>
      %add3A_249 = arith.addf %add3A_213, %get3A_248 : vector<16xf32>
      %mul3A_250 = arith.mulf %get3A_248, %get3A_248 : vector<16xf32>
      %add3A_251 = arith.addf %add3A_215, %mul3A_250 : vector<16xf32>
      %mul3A_252 = arith.constant 9 : i32
      %mul3A_253 = arith.muli %scan3A_186, %mul3A_252 : i32
      %add3A_254 = arith.constant 5 : i32
      %add3A_255 = arith.addi %mul3A_253, %add3A_254 : i32
      %mul3A_256 = arith.constant 16 : i32
      %mul3A_257 = arith.muli %add3A_255, %mul3A_256 : i32
      %get3A_258 = arith.index_cast %mul3A_257 : i32 to index
      %get3A_259 = tpu.vector_load %arg11[%get3A_258] {strides = array<i32>} : memref<31264xf32, #tpu.memory_space<vmem>>, vector<16xf32>,
      %get3A_260 = vector.shape_cast %get3A_259 : vector<16xf32> to vector<16xf32>
      %add3A_261 = arith.addf %add3A_225, %get3A_260 : vector<16xf32>
      %mul3A_262 = arith.mulf %get3A_260, %get3A_260 : vector<16xf32>
      %add3A_263 = arith.addf %add3A_227, %mul3A_262 : vector<16xf32>
      %mul3A_264 = arith.constant 9 : i32
      %mul3A_265 = arith.muli %scan3A_186, %mul3A_264 : i32
      %add3A_266 = arith.constant 6 : i32
      %add3A_267 = arith.addi %mul3A_265, %add3A_266 : i32
      %mul3A_268 = arith.constant 16 : i32
      %mul3A_269 = arith.muli %add3A_267, %mul3A_268 : i32
      %get3A_270 = arith.index_cast %mul3A_269 : i32 to index
      %get3A_271 = tpu.vector_load %arg11[%get3A_270] {strides = array<i32>} : memref<31264xf32, #tpu.memory_space<vmem>>, vector<16xf32>,
      %get3A_272 = vector.shape_cast %get3A_271 : vector<16xf32> to vector<16xf32>
      %add3A_273 = arith.addf %add3A_237, %get3A_272 : vector<16xf32>
      %mul3A_274 = arith.mulf %get3A_272, %get3A_272 : vector<16xf32>
      %add3A_275 = arith.addf %add3A_239, %mul3A_274 : vector<16xf32>
      %mul3A_276 = arith.constant 9 : i32
      %mul3A_277 = arith.muli %scan3A_186, %mul3A_276 : i32
      %add3A_278 = arith.constant 7 : i32
      %add3A_279 = arith.addi %mul3A_277, %add3A_278 : i32
      %mul3A_280 = arith.constant 16 : i32
      %mul3A_281 = arith.muli %add3A_279, %mul3A_280 : i32
      %get3A_282 = arith.index_cast %mul3A_281 : i32 to index
      %get3A_283 = tpu.vector_load %arg11[%get3A_282] {strides = array<i32>} : memref<31264xf32, #tpu.memory_space<vmem>>, vector<16xf32>,
      %get3A_284 = vector.shape_cast %get3A_283 : vector<16xf32> to vector<16xf32>
      %add3A_285 = arith.addf %add3A_249, %get3A_284 : vector<16xf32>
      %mul3A_286 = arith.mulf %get3A_284, %get3A_284 : vector<16xf32>
      %add3A_287 = arith.addf %add3A_251, %mul3A_286 : vector<16xf32>
      %mul3A_288 = arith.constant 9 : i32
      %mul3A_289 = arith.muli %scan3A_186, %mul3A_288 : i32
      %add3A_290 = arith.constant 8 : i32
      %add3A_291 = arith.addi %mul3A_289, %add3A_290 : i32
      %mul3A_292 = arith.constant 16 : i32
      %mul3A_293 = arith.muli %add3A_291, %mul3A_292 : i32
      %get3A_294 = arith.index_cast %mul3A_293 : i32 to index
      %get3A_295 = tpu.vector_load %arg11[%get3A_294] {strides = array<i32>} : memref<31264xf32, #tpu.memory_space<vmem>>, vector<16xf32>,
      %get3A_296 = vector.shape_cast %get3A_295 : vector<16xf32> to vector<16xf32>
      %add3A_297 = arith.addf %add3A_261, %get3A_296 : vector<16xf32>
      %mul3A_298 = arith.mulf %get3A_296, %get3A_296 : vector<16xf32>
      %add3A_299 = arith.addf %add3A_263, %mul3A_298 : vector<16xf32>
      scf.yield %add3A_273, %add3A_275, %add3A_285, %add3A_287, %add3A_297, %add3A_299 : vector<16xf32>, vector<16xf32>, vector<16xf32>, vector<16xf32>, vector<16xf32>, vector<16xf32>
    }
    %scan3A_97 = arith.constant 72 : i32
    %dma_wait3A_98 = arith.constant 20832 : i32
    %dma_wait3A_99 = tpu.memref_slice %arg11[%dma_wait3A_98] : memref<31264xf32, #tpu.memory_space<vmem>> -> memref<10416xf32, #tpu.memory_space<vmem>>
    %dma_wait3A_100 = tpu.memref_slice %arg4[%add3A_30] : memref<1000000xf32, #tpu.memory_space<hbm>> -> memref<10416xf32, #tpu.memory_space<hbm>>
    %dma_wait3A_101 = arith.constant 20832 : i32
    %dma_wait3A_102 = tpu.memref_slice %arg11[%dma_wait3A_101] : memref<31264xf32, #tpu.memory_space<vmem>> -> memref<10416xf32, #tpu.memory_space<vmem>>
    %dma_wait3A_103 = tpu.memref_slice %arg4[%add3A_30] : memref<1000000xf32, #tpu.memory_space<hbm>> -> memref<10416xf32, #tpu.memory_space<hbm>>
    tpu.wait_dma2 semaphore(%arg19 : memref<!tpu.dma_semaphore, #tpu.memory_space<semaphore_mem>>) src(%dma_wait3A_103 : memref<10416xf32, #tpu.memory_space<hbm>>) dst(%dma_wait3A_102 : memref<10416xf32, #tpu.memory_space<vmem>>)
    %scan3A_104 = arith.constant 144 : i32
    %scan3A_105 = arith.constant 73 : i32
    %scan3A_106 = arith.addi %scan3A_104, %scan3A_105 : i32
    %scan3A_107 = arith.constant 1 : i32
    %scan3A_108:6 = scf.for %scan3A_186 = %scan3A_104 to %scan3A_106 step %scan3A_107 iter_args(%scan3A_187 = %scan3A_96#0, %scan3A_188 = %scan3A_96#1, %scan3A_189 = %scan3A_96#2, %scan3A_190 = %scan3A_96#3, %scan3A_191 = %scan3A_96#4, %scan3A_192 = %scan3A_96#5) -> (vector<16xf32>, vector<16xf32>, vector<16xf32>, vector<16xf32>, vector<16xf32>, vector<16xf32>)  : i32 {
      %mul3A_193 = arith.constant 9 : i32
      %mul3A_194 = arith.muli %scan3A_186, %mul3A_193 : i32
      %add3A_195 = arith.constant 0 : i32
      %add3A_196 = arith.addi %mul3A_194, %add3A_195 : i32
      %mul3A_197 = arith.constant 16 : i32
      %mul3A_198 = arith.muli %add3A_196, %mul3A_197 : i32
      %get3A = arith.index_cast %mul3A_198 : i32 to index
      %get3A_199 = tpu.vector_load %arg11[%get3A] {strides = array<i32>} : memref<31264xf32, #tpu.memory_space<vmem>>, vector<16xf32>,
      %get3A_200 = vector.shape_cast %get3A_199 : vector<16xf32> to vector<16xf32>
      %add3A_201 = arith.addf %scan3A_187, %get3A_200 : vector<16xf32>
      %mul3A_202 = arith.mulf %get3A_200, %get3A_200 : vector<16xf32>
      %add3A_203 = arith.addf %scan3A_188, %mul3A_202 : vector<16xf32>
      %mul3A_204 = arith.constant 9 : i32
      %mul3A_205 = arith.muli %scan3A_186, %mul3A_204 : i32
      %add3A_206 = arith.constant 1 : i32
      %add3A_207 = arith.addi %mul3A_205, %add3A_206 : i32
      %mul3A_208 = arith.constant 16 : i32
      %mul3A_209 = arith.muli %add3A_207, %mul3A_208 : i32
      %get3A_210 = arith.index_cast %mul3A_209 : i32 to index
      %get3A_211 = tpu.vector_load %arg11[%get3A_210] {strides = array<i32>} : memref<31264xf32, #tpu.memory_space<vmem>>, vector<16xf32>,
      %get3A_212 = vector.shape_cast %get3A_211 : vector<16xf32> to vector<16xf32>
      %add3A_213 = arith.addf %scan3A_189, %get3A_212 : vector<16xf32>
      %mul3A_214 = arith.mulf %get3A_212, %get3A_212 : vector<16xf32>
      %add3A_215 = arith.addf %scan3A_190, %mul3A_214 : vector<16xf32>
      %mul3A_216 = arith.constant 9 : i32
      %mul3A_217 = arith.muli %scan3A_186, %mul3A_216 : i32
      %add3A_218 = arith.constant 2 : i32
      %add3A_219 = arith.addi %mul3A_217, %add3A_218 : i32
      %mul3A_220 = arith.constant 16 : i32
      %mul3A_221 = arith.muli %add3A_219, %mul3A_220 : i32
      %get3A_222 = arith.index_cast %mul3A_221 : i32 to index
      %get3A_223 = tpu.vector_load %arg11[%get3A_222] {strides = array<i32>} : memref<31264xf32, #tpu.memory_space<vmem>>, vector<16xf32>,
      %get3A_224 = vector.shape_cast %get3A_223 : vector<16xf32> to vector<16xf32>
      %add3A_225 = arith.addf %scan3A_191, %get3A_224 : vector<16xf32>
      %mul3A_226 = arith.mulf %get3A_224, %get3A_224 : vector<16xf32>
      %add3A_227 = arith.addf %scan3A_192, %mul3A_226 : vector<16xf32>
      %mul3A_228 = arith.constant 9 : i32
      %mul3A_229 = arith.muli %scan3A_186, %mul3A_228 : i32
      %add3A_230 = arith.constant 3 : i32
      %add3A_231 = arith.addi %mul3A_229, %add3A_230 : i32
      %mul3A_232 = arith.constant 16 : i32
      %mul3A_233 = arith.muli %add3A_231, %mul3A_232 : i32
      %get3A_234 = arith.index_cast %mul3A_233 : i32 to index
      %get3A_235 = tpu.vector_load %arg11[%get3A_234] {strides = array<i32>} : memref<31264xf32, #tpu.memory_space<vmem>>, vector<16xf32>,
      %get3A_236 = vector.shape_cast %get3A_235 : vector<16xf32> to vector<16xf32>
      %add3A_237 = arith.addf %add3A_201, %get3A_236 : vector<16xf32>
      %mul3A_238 = arith.mulf %get3A_236, %get3A_236 : vector<16xf32>
      %add3A_239 = arith.addf %add3A_203, %mul3A_238 : vector<16xf32>
      %mul3A_240 = arith.constant 9 : i32
      %mul3A_241 = arith.muli %scan3A_186, %mul3A_240 : i32
      %add3A_242 = arith.constant 4 : i32
      %add3A_243 = arith.addi %mul3A_241, %add3A_242 : i32
      %mul3A_244 = arith.constant 16 : i32
      %mul3A_245 = arith.muli %add3A_243, %mul3A_244 : i32
      %get3A_246 = arith.index_cast %mul3A_245 : i32 to index
      %get3A_247 = tpu.vector_load %arg11[%get3A_246] {strides = array<i32>} : memref<31264xf32, #tpu.memory_space<vmem>>, vector<16xf32>,
      %get3A_248 = vector.shape_cast %get3A_247 : vector<16xf32> to vector<16xf32>
      %add3A_249 = arith.addf %add3A_213, %get3A_248 : vector<16xf32>
      %mul3A_250 = arith.mulf %get3A_248, %get3A_248 : vector<16xf32>
      %add3A_251 = arith.addf %add3A_215, %mul3A_250 : vector<16xf32>
      %mul3A_252 = arith.constant 9 : i32
      %mul3A_253 = arith.muli %scan3A_186, %mul3A_252 : i32
      %add3A_254 = arith.constant 5 : i32
      %add3A_255 = arith.addi %mul3A_253, %add3A_254 : i32
      %mul3A_256 = arith.constant 16 : i32
      %mul3A_257 = arith.muli %add3A_255, %mul3A_256 : i32
      %get3A_258 = arith.index_cast %mul3A_257 : i32 to index
      %get3A_259 = tpu.vector_load %arg11[%get3A_258] {strides = array<i32>} : memref<31264xf32, #tpu.memory_space<vmem>>, vector<16xf32>,
      %get3A_260 = vector.shape_cast %get3A_259 : vector<16xf32> to vector<16xf32>
      %add3A_261 = arith.addf %add3A_225, %get3A_260 : vector<16xf32>
      %mul3A_262 = arith.mulf %get3A_260, %get3A_260 : vector<16xf32>
      %add3A_263 = arith.addf %add3A_227, %mul3A_262 : vector<16xf32>
      %mul3A_264 = arith.constant 9 : i32
      %mul3A_265 = arith.muli %scan3A_186, %mul3A_264 : i32
      %add3A_266 = arith.constant 6 : i32
      %add3A_267 = arith.addi %mul3A_265, %add3A_266 : i32
      %mul3A_268 = arith.constant 16 : i32
      %mul3A_269 = arith.muli %add3A_267, %mul3A_268 : i32
      %get3A_270 = arith.index_cast %mul3A_269 : i32 to index
      %get3A_271 = tpu.vector_load %arg11[%get3A_270] {strides = array<i32>} : memref<31264xf32, #tpu.memory_space<vmem>>, vector<16xf32>,
      %get3A_272 = vector.shape_cast %get3A_271 : vector<16xf32> to vector<16xf32>
      %add3A_273 = arith.addf %add3A_237, %get3A_272 : vector<16xf32>
      %mul3A_274 = arith.mulf %get3A_272, %get3A_272 : vector<16xf32>
      %add3A_275 = arith.addf %add3A_239, %mul3A_274 : vector<16xf32>
      %mul3A_276 = arith.constant 9 : i32
      %mul3A_277 = arith.muli %scan3A_186, %mul3A_276 : i32
      %add3A_278 = arith.constant 7 : i32
      %add3A_279 = arith.addi %mul3A_277, %add3A_278 : i32
      %mul3A_280 = arith.constant 16 : i32
      %mul3A_281 = arith.muli %add3A_279, %mul3A_280 : i32
      %get3A_282 = arith.index_cast %mul3A_281 : i32 to index
      %get3A_283 = tpu.vector_load %arg11[%get3A_282] {strides = array<i32>} : memref<31264xf32, #tpu.memory_space<vmem>>, vector<16xf32>,
      %get3A_284 = vector.shape_cast %get3A_283 : vector<16xf32> to vector<16xf32>
      %add3A_285 = arith.addf %add3A_249, %get3A_284 : vector<16xf32>
      %mul3A_286 = arith.mulf %get3A_284, %get3A_284 : vector<16xf32>
      %add3A_287 = arith.addf %add3A_251, %mul3A_286 : vector<16xf32>
      %mul3A_288 = arith.constant 9 : i32
      %mul3A_289 = arith.muli %scan3A_186, %mul3A_288 : i32
      %add3A_290 = arith.constant 8 : i32
      %add3A_291 = arith.addi %mul3A_289, %add3A_290 : i32
      %mul3A_292 = arith.constant 16 : i32
      %mul3A_293 = arith.muli %add3A_291, %mul3A_292 : i32
      %get3A_294 = arith.index_cast %mul3A_293 : i32 to index
      %get3A_295 = tpu.vector_load %arg11[%get3A_294] {strides = array<i32>} : memref<31264xf32, #tpu.memory_space<vmem>>, vector<16xf32>,
      %get3A_296 = vector.shape_cast %get3A_295 : vector<16xf32> to vector<16xf32>
      %add3A_297 = arith.addf %add3A_261, %get3A_296 : vector<16xf32>
      %mul3A_298 = arith.mulf %get3A_296, %get3A_296 : vector<16xf32>
      %add3A_299 = arith.addf %add3A_263, %mul3A_298 : vector<16xf32>
      scf.yield %add3A_273, %add3A_275, %add3A_285, %add3A_287, %add3A_297, %add3A_299 : vector<16xf32>, vector<16xf32>, vector<16xf32>, vector<16xf32>, vector<16xf32>, vector<16xf32>
    }
    %scan3A_109 = arith.constant 73 : i32
    %add3A_110 = arith.addf %scan3A_108#0, %scan3A_108#2 : vector<16xf32>
    %add3A_111 = arith.addf %add3A_110, %scan3A_108#4 : vector<16xf32>
    %add3A_112 = arith.addf %scan3A_108#1, %scan3A_108#3 : vector<16xf32>
    %add3A_113 = arith.addf %add3A_112, %scan3A_108#5 : vector<16xf32>
    %dma_wait3A_114 = arith.constant 31248 : i32
    %dma_wait3A_115 = tpu.memref_slice %arg11[%dma_wait3A_114] : memref<31264xf32, #tpu.memory_space<vmem>> -> memref<16xf32, #tpu.memory_space<vmem>>
    %dma_wait3A_116 = tpu.memref_slice %arg4[%add3A_44] : memref<1000000xf32, #tpu.memory_space<hbm>> -> memref<16xf32, #tpu.memory_space<hbm>>
    %dma_wait3A_117 = arith.constant 31248 : i32
    %dma_wait3A_118 = tpu.memref_slice %arg11[%dma_wait3A_117] : memref<31264xf32, #tpu.memory_space<vmem>> -> memref<16xf32, #tpu.memory_space<vmem>>
    %dma_wait3A_119 = tpu.memref_slice %arg4[%add3A_44] : memref<1000000xf32, #tpu.memory_space<hbm>> -> memref<16xf32, #tpu.memory_space<hbm>>
    tpu.wait_dma2 semaphore(%arg19 : memref<!tpu.dma_semaphore, #tpu.memory_space<semaphore_mem>>) src(%dma_wait3A_119 : memref<16xf32, #tpu.memory_space<hbm>>) dst(%dma_wait3A_118 : memref<16xf32, #tpu.memory_space<vmem>>)
    %lt3A = arith.constant 4 : i32
    %lt3A_120 = arith.cmpi slt, %add3A, %lt3A : i32
    %convert_element_type3A = arith.extui %lt3A_120 : i1 to i32
    %cond3A = arith.constant 0 : i32
    %cond3A_121 = arith.cmpi ne, %convert_element_type3A, %cond3A : i32
    scf.if %cond3A_121 {
      %get3A = arith.constant 31248 : index
      %get3A_186 = tpu.vector_load %arg11[%get3A] {strides = array<i32>} : memref<31264xf32, #tpu.memory_space<vmem>>, vector<16xf32>,
      %get3A_187 = vector.shape_cast %get3A_186 : vector<16xf32> to vector<16xf32>
      %add3A_188 = arith.addf %add3A_111, %get3A_187 : vector<16xf32>
      %swap3A = arith.constant 0 : index
      %swap3A_189 = tpu.vector_load %arg18[%swap3A] {strides = array<i32>} : memref<48xf32, #tpu.memory_space<vmem>>, vector<16xf32>,
      %swap3A_190 = vector.shape_cast %swap3A_189 : vector<16xf32> to vector<16xf32>
      %swap3A_191 = vector.shape_cast %add3A_188 : vector<16xf32> to vector<16xf32>
      tpu.vector_store %arg18[%swap3A], %swap3A_191 {strides = array<i32>} : memref<48xf32, #tpu.memory_space<vmem>>, vector<16xf32>,
      %mul3A_192 = arith.mulf %get3A_187, %get3A_187 : vector<16xf32>
      %add3A_193 = arith.addf %add3A_113, %mul3A_192 : vector<16xf32>
      %swap3A_194 = arith.constant 16 : index
      %swap3A_195 = tpu.vector_load %arg18[%swap3A_194] {strides = array<i32>} : memref<48xf32, #tpu.memory_space<vmem>>, vector<16xf32>,
      %swap3A_196 = vector.shape_cast %swap3A_195 : vector<16xf32> to vector<16xf32>
      %swap3A_197 = vector.shape_cast %add3A_193 : vector<16xf32> to vector<16xf32>
      tpu.vector_store %arg18[%swap3A_194], %swap3A_197 {strides = array<i32>} : memref<48xf32, #tpu.memory_space<vmem>>, vector<16xf32>,
    } else {
    }
    %ge3A = arith.constant 4 : i32
    %ge3A_122 = arith.cmpi sge, %add3A, %ge3A : i32
    %convert_element_type3A_123 = arith.extui %ge3A_122 : i1 to i32
    %cond3A_124 = arith.constant 0 : i32
    %cond3A_125 = arith.cmpi ne, %convert_element_type3A_123, %cond3A_124 : i32
    scf.if %cond3A_125 {
      %swap3A = arith.constant 0 : index
      %swap3A_186 = tpu.vector_load %arg18[%swap3A] {strides = array<i32>} : memref<48xf32, #tpu.memory_space<vmem>>, vector<16xf32>,
      %swap3A_187 = vector.shape_cast %swap3A_186 : vector<16xf32> to vector<16xf32>
      %swap3A_188 = vector.shape_cast %add3A_111 : vector<16xf32> to vector<16xf32>
      tpu.vector_store %arg18[%swap3A], %swap3A_188 {strides = array<i32>} : memref<48xf32, #tpu.memory_space<vmem>>, vector<16xf32>,
      %swap3A_189 = arith.constant 16 : index
      %swap3A_190 = tpu.vector_load %arg18[%swap3A_189] {strides = array<i32>} : memref<48xf32, #tpu.memory_space<vmem>>, vector<16xf32>,
      %swap3A_191 = vector.shape_cast %swap3A_190 : vector<16xf32> to vector<16xf32>
      %swap3A_192 = vector.shape_cast %add3A_113 : vector<16xf32> to vector<16xf32>
      tpu.vector_store %arg18[%swap3A_189], %swap3A_192 {strides = array<i32>} : memref<48xf32, #tpu.memory_space<vmem>>, vector<16xf32>,
    } else {
    }
    %dma_wait3A_126 = arith.constant 0 : i32
    %dma_wait3A_127 = tpu.memref_slice %arg12[%dma_wait3A_126] : memref<3136xf32, #tpu.memory_space<vmem>> -> memref<3120xf32, #tpu.memory_space<vmem>>
    %dma_wait3A_128 = tpu.memref_slice %arg6[%add3A_13] : memref<100000xf32, #tpu.memory_space<hbm>> -> memref<3120xf32, #tpu.memory_space<hbm>>
    %dma_wait3A_129 = arith.constant 0 : i32
    %dma_wait3A_130 = tpu.memref_slice %arg12[%dma_wait3A_129] : memref<3136xf32, #tpu.memory_space<vmem>> -> memref<3120xf32, #tpu.memory_space<vmem>>
    %dma_wait3A_131 = tpu.memref_slice %arg6[%add3A_13] : memref<100000xf32, #tpu.memory_space<hbm>> -> memref<3120xf32, #tpu.memory_space<hbm>>
    tpu.wait_dma2 semaphore(%arg20 : memref<!tpu.dma_semaphore, #tpu.memory_space<semaphore_mem>>) src(%dma_wait3A_131 : memref<3120xf32, #tpu.memory_space<hbm>>) dst(%dma_wait3A_130 : memref<3120xf32, #tpu.memory_space<vmem>>)
    %dma_wait3A_132 = arith.constant 3120 : i32
    %dma_wait3A_133 = tpu.memref_slice %arg12[%dma_wait3A_132] : memref<3136xf32, #tpu.memory_space<vmem>> -> memref<16xf32, #tpu.memory_space<vmem>>
    %dma_wait3A_134 = tpu.memref_slice %arg6[%add3A_52] : memref<100000xf32, #tpu.memory_space<hbm>> -> memref<16xf32, #tpu.memory_space<hbm>>
    %dma_wait3A_135 = arith.constant 3120 : i32
    %dma_wait3A_136 = tpu.memref_slice %arg12[%dma_wait3A_135] : memref<3136xf32, #tpu.memory_space<vmem>> -> memref<16xf32, #tpu.memory_space<vmem>>
    %dma_wait3A_137 = tpu.memref_slice %arg6[%add3A_52] : memref<100000xf32, #tpu.memory_space<hbm>> -> memref<16xf32, #tpu.memory_space<hbm>>
    tpu.wait_dma2 semaphore(%arg20 : memref<!tpu.dma_semaphore, #tpu.memory_space<semaphore_mem>>) src(%dma_wait3A_137 : memref<16xf32, #tpu.memory_space<hbm>>) dst(%dma_wait3A_136 : memref<16xf32, #tpu.memory_space<vmem>>)
    %scan3A_138 = arith.constant 0 : i32
    %scan3A_139 = arith.constant 39 : i32
    %scan3A_140 = arith.addi %scan3A_138, %scan3A_139 : i32
    %scan3A_141 = arith.constant 1 : i32
    %scan3A_142:3 = scf.for %scan3A_186 = %scan3A_138 to %scan3A_140 step %scan3A_141 iter_args(%scan3A_187 = %broadcast_in_dim3A_74, %scan3A_188 = %broadcast_in_dim3A_74, %scan3A_189 = %broadcast_in_dim3A_74) -> (vector<16xf32>, vector<16xf32>, vector<16xf32>)  : i32 {
      %mul3A_190 = arith.constant 5 : i32
      %mul3A_191 = arith.muli %scan3A_186, %mul3A_190 : i32
      %add3A_192 = arith.constant 0 : i32
      %add3A_193 = arith.addi %mul3A_191, %add3A_192 : i32
      %mul3A_194 = arith.constant 16 : i32
      %mul3A_195 = arith.muli %add3A_193, %mul3A_194 : i32
      %get3A = arith.index_cast %mul3A_195 : i32 to index
      %get3A_196 = tpu.vector_load %arg12[%get3A] {strides = array<i32>} : memref<3136xf32, #tpu.memory_space<vmem>>, vector<16xf32>,
      %get3A_197 = vector.shape_cast %get3A_196 : vector<16xf32> to vector<16xf32>
      %add3A_198 = arith.addf %scan3A_187, %get3A_197 : vector<16xf32>
      %mul3A_199 = arith.constant 5 : i32
      %mul3A_200 = arith.muli %scan3A_186, %mul3A_199 : i32
      %add3A_201 = arith.constant 1 : i32
      %add3A_202 = arith.addi %mul3A_200, %add3A_201 : i32
      %mul3A_203 = arith.constant 16 : i32
      %mul3A_204 = arith.muli %add3A_202, %mul3A_203 : i32
      %get3A_205 = arith.index_cast %mul3A_204 : i32 to index
      %get3A_206 = tpu.vector_load %arg12[%get3A_205] {strides = array<i32>} : memref<3136xf32, #tpu.memory_space<vmem>>, vector<16xf32>,
      %get3A_207 = vector.shape_cast %get3A_206 : vector<16xf32> to vector<16xf32>
      %add3A_208 = arith.addf %scan3A_188, %get3A_207 : vector<16xf32>
      %mul3A_209 = arith.constant 5 : i32
      %mul3A_210 = arith.muli %scan3A_186, %mul3A_209 : i32
      %add3A_211 = arith.constant 2 : i32
      %add3A_212 = arith.addi %mul3A_210, %add3A_211 : i32
      %mul3A_213 = arith.constant 16 : i32
      %mul3A_214 = arith.muli %add3A_212, %mul3A_213 : i32
      %get3A_215 = arith.index_cast %mul3A_214 : i32 to index
      %get3A_216 = tpu.vector_load %arg12[%get3A_215] {strides = array<i32>} : memref<3136xf32, #tpu.memory_space<vmem>>, vector<16xf32>,
      %get3A_217 = vector.shape_cast %get3A_216 : vector<16xf32> to vector<16xf32>
      %add3A_218 = arith.addf %scan3A_189, %get3A_217 : vector<16xf32>
      %mul3A_219 = arith.constant 5 : i32
      %mul3A_220 = arith.muli %scan3A_186, %mul3A_219 : i32
      %add3A_221 = arith.constant 3 : i32
      %add3A_222 = arith.addi %mul3A_220, %add3A_221 : i32
      %mul3A_223 = arith.constant 16 : i32
      %mul3A_224 = arith.muli %add3A_222, %mul3A_223 : i32
      %get3A_225 = arith.index_cast %mul3A_224 : i32 to index
      %get3A_226 = tpu.vector_load %arg12[%get3A_225] {strides = array<i32>} : memref<3136xf32, #tpu.memory_space<vmem>>, vector<16xf32>,
      %get3A_227 = vector.shape_cast %get3A_226 : vector<16xf32> to vector<16xf32>
      %add3A_228 = arith.addf %add3A_198, %get3A_227 : vector<16xf32>
      %mul3A_229 = arith.constant 5 : i32
      %mul3A_230 = arith.muli %scan3A_186, %mul3A_229 : i32
      %add3A_231 = arith.constant 4 : i32
      %add3A_232 = arith.addi %mul3A_230, %add3A_231 : i32
      %mul3A_233 = arith.constant 16 : i32
      %mul3A_234 = arith.muli %add3A_232, %mul3A_233 : i32
      %get3A_235 = arith.index_cast %mul3A_234 : i32 to index
      %get3A_236 = tpu.vector_load %arg12[%get3A_235] {strides = array<i32>} : memref<3136xf32, #tpu.memory_space<vmem>>, vector<16xf32>,
      %get3A_237 = vector.shape_cast %get3A_236 : vector<16xf32> to vector<16xf32>
      %add3A_238 = arith.addf %add3A_208, %get3A_237 : vector<16xf32>
      scf.yield %add3A_228, %add3A_238, %add3A_218 : vector<16xf32>, vector<16xf32>, vector<16xf32>
    }
    %scan3A_143 = arith.constant 39 : i32
    %add3A_144 = arith.addf %scan3A_142#0, %scan3A_142#1 : vector<16xf32>
    %add3A_145 = arith.addf %add3A_144, %scan3A_142#2 : vector<16xf32>
    %lt3A_146 = arith.constant 10 : i32
    %lt3A_147 = arith.cmpi slt, %add3A, %lt3A_146 : i32
    %convert_element_type3A_148 = arith.extui %lt3A_147 : i1 to i32
    %cond3A_149 = arith.constant 0 : i32
    %cond3A_150 = arith.cmpi ne, %convert_element_type3A_148, %cond3A_149 : i32
    scf.if %cond3A_150 {
      %get3A = arith.constant 3120 : index
      %get3A_186 = tpu.vector_load %arg12[%get3A] {strides = array<i32>} : memref<3136xf32, #tpu.memory_space<vmem>>, vector<16xf32>,
      %get3A_187 = vector.shape_cast %get3A_186 : vector<16xf32> to vector<16xf32>
      %add3A_188 = arith.addf %add3A_145, %get3A_187 : vector<16xf32>
      %swap3A = arith.constant 32 : index
      %swap3A_189 = tpu.vector_load %arg18[%swap3A] {strides = array<i32>} : memref<48xf32, #tpu.memory_space<vmem>>, vector<16xf32>,
      %swap3A_190 = vector.shape_cast %swap3A_189 : vector<16xf32> to vector<16xf32>
      %swap3A_191 = vector.shape_cast %add3A_188 : vector<16xf32> to vector<16xf32>
      tpu.vector_store %arg18[%swap3A], %swap3A_191 {strides = array<i32>} : memref<48xf32, #tpu.memory_space<vmem>>, vector<16xf32>,
    } else {
    }
    %ge3A_151 = arith.constant 10 : i32
    %ge3A_152 = arith.cmpi sge, %add3A, %ge3A_151 : i32
    %convert_element_type3A_153 = arith.extui %ge3A_152 : i1 to i32
    %cond3A_154 = arith.constant 0 : i32
    %cond3A_155 = arith.cmpi ne, %convert_element_type3A_153, %cond3A_154 : i32
    scf.if %cond3A_155 {
      %swap3A = arith.constant 32 : index
      %swap3A_186 = tpu.vector_load %arg18[%swap3A] {strides = array<i32>} : memref<48xf32, #tpu.memory_space<vmem>>, vector<16xf32>,
      %swap3A_187 = vector.shape_cast %swap3A_186 : vector<16xf32> to vector<16xf32>
      %swap3A_188 = vector.shape_cast %add3A_145 : vector<16xf32> to vector<16xf32>
      tpu.vector_store %arg18[%swap3A], %swap3A_188 {strides = array<i32>} : memref<48xf32, #tpu.memory_space<vmem>>, vector<16xf32>,
    } else {
    }
    %dma_start3A_156 = arith.constant 0 : i32
    %dma_start3A_157 = tpu.memref_slice %arg10[%add3A, %dma_start3A_156] : memref<32x48xf32, #tpu.memory_space<hbm>> -> memref<1x48xf32, #tpu.memory_space<hbm>>
    %dma_start3A_158 = tpu.memref_squeeze %dma_start3A_157 : memref<1x48xf32, #tpu.memory_space<hbm>> -> memref<48xf32, #tpu.memory_space<hbm>>
    %dma_start3A_159 = arith.constant 0 : i32
    %dma_start3A_160 = tpu.memref_slice %arg10[%add3A, %dma_start3A_159] : memref<32x48xf32, #tpu.memory_space<hbm>> -> memref<1x48xf32, #tpu.memory_space<hbm>>
    %dma_start3A_161 = tpu.memref_squeeze %dma_start3A_160 : memref<1x48xf32, #tpu.memory_space<hbm>> -> memref<48xf32, #tpu.memory_space<hbm>>
    tpu.enqueue_dma source(%arg18 : memref<48xf32, #tpu.memory_space<vmem>>) target(%dma_start3A_161 : memref<48xf32, #tpu.memory_space<hbm>>) target_semaphore(%arg22 : memref<!tpu.dma_semaphore, #tpu.memory_space<semaphore_mem>>)
    %dma_wait3A_162 = arith.constant 0 : i32
    %dma_wait3A_163 = tpu.memref_slice %arg4[%dma_wait3A_162] : memref<1000000xf32, #tpu.memory_space<hbm>> -> memref<1000000xf32, #tpu.memory_space<hbm>>
    tpu.wait_indirect_dma semaphore(%arg21 : memref<!tpu.dma_semaphore, #tpu.memory_space<semaphore_mem>>) src(%dma_wait3A_163 : memref<1000000xf32, #tpu.memory_space<hbm>>) dst(%arg15 : memref<512xf32, #tpu.memory_space<vmem>>)
    %dma_wait3A_164 = arith.constant 0 : i32
    %dma_wait3A_165 = tpu.memref_slice %arg5[%dma_wait3A_164] : memref<100000xf32, #tpu.memory_space<hbm>> -> memref<100000xf32, #tpu.memory_space<hbm>>
    tpu.wait_indirect_dma semaphore(%arg21 : memref<!tpu.dma_semaphore, #tpu.memory_space<semaphore_mem>>) src(%dma_wait3A_165 : memref<100000xf32, #tpu.memory_space<hbm>>) dst(%arg16 : memref<512xf32, #tpu.memory_space<vmem>>)
    %dma_wait3A_166 = arith.constant 0 : i32
    %dma_wait3A_167 = tpu.memref_slice %arg6[%dma_wait3A_166] : memref<100000xf32, #tpu.memory_space<hbm>> -> memref<100000xf32, #tpu.memory_space<hbm>>
    tpu.wait_indirect_dma semaphore(%arg21 : memref<!tpu.dma_semaphore, #tpu.memory_space<semaphore_mem>>) src(%dma_wait3A_167 : memref<100000xf32, #tpu.memory_space<hbm>>) dst(%arg17 : memref<512xf32, #tpu.memory_space<vmem>>)
    %dma_start3A_168 = tpu.memref_slice %arg7[%mul3A_60] : memref<16384xf32, #tpu.memory_space<hbm>> -> memref<512xf32, #tpu.memory_space<hbm>>
    %dma_start3A_169 = tpu.memref_slice %arg7[%mul3A_60] : memref<16384xf32, #tpu.memory_space<hbm>> -> memref<512xf32, #tpu.memory_space<hbm>>
    tpu.enqueue_dma source(%arg15 : memref<512xf32, #tpu.memory_space<vmem>>) target(%dma_start3A_169 : memref<512xf32, #tpu.memory_space<hbm>>) target_semaphore(%arg21 : memref<!tpu.dma_semaphore, #tpu.memory_space<semaphore_mem>>)
    %dma_start3A_170 = tpu.memref_slice %arg8[%mul3A_60] : memref<16384xf32, #tpu.memory_space<hbm>> -> memref<512xf32, #tpu.memory_space<hbm>>
    %dma_start3A_171 = tpu.memref_slice %arg8[%mul3A_60] : memref<16384xf32, #tpu.memory_space<hbm>> -> memref<512xf32, #tpu.memory_space<hbm>>
    tpu.enqueue_dma source(%arg16 : memref<512xf32, #tpu.memory_space<vmem>>) target(%dma_start3A_171 : memref<512xf32, #tpu.memory_space<hbm>>) target_semaphore(%arg21 : memref<!tpu.dma_semaphore, #tpu.memory_space<semaphore_mem>>)
    %dma_start3A_172 = tpu.memref_slice %arg9[%mul3A_60] : memref<16384xf32, #tpu.memory_space<hbm>> -> memref<512xf32, #tpu.memory_space<hbm>>
    %dma_start3A_173 = tpu.memref_slice %arg9[%mul3A_60] : memref<16384xf32, #tpu.memory_space<hbm>> -> memref<512xf32, #tpu.memory_space<hbm>>
    tpu.enqueue_dma source(%arg17 : memref<512xf32, #tpu.memory_space<vmem>>) target(%dma_start3A_173 : memref<512xf32, #tpu.memory_space<hbm>>) target_semaphore(%arg21 : memref<!tpu.dma_semaphore, #tpu.memory_space<semaphore_mem>>)
    %dma_wait3A_174 = arith.constant 0 : i32
    %dma_wait3A_175 = tpu.memref_slice %arg10[%add3A, %dma_wait3A_174] : memref<32x48xf32, #tpu.memory_space<hbm>> -> memref<1x48xf32, #tpu.memory_space<hbm>>
    %dma_wait3A_176 = tpu.memref_squeeze %dma_wait3A_175 : memref<1x48xf32, #tpu.memory_space<hbm>> -> memref<48xf32, #tpu.memory_space<hbm>>
    %dma_wait3A_177 = arith.constant 0 : i32
    %dma_wait3A_178 = tpu.memref_slice %arg10[%add3A, %dma_wait3A_177] : memref<32x48xf32, #tpu.memory_space<hbm>> -> memref<1x48xf32, #tpu.memory_space<hbm>>
    %dma_wait3A_179 = tpu.memref_squeeze %dma_wait3A_178 : memref<1x48xf32, #tpu.memory_space<hbm>> -> memref<48xf32, #tpu.memory_space<hbm>>
    tpu.wait_dma2 semaphore(%arg22 : memref<!tpu.dma_semaphore, #tpu.memory_space<semaphore_mem>>) src(%arg18 : memref<48xf32, #tpu.memory_space<vmem>>) dst(%dma_wait3A_179 : memref<48xf32, #tpu.memory_space<hbm>>)
    %dma_wait3A_180 = tpu.memref_slice %arg7[%mul3A_60] : memref<16384xf32, #tpu.memory_space<hbm>> -> memref<512xf32, #tpu.memory_space<hbm>>
    %dma_wait3A_181 = tpu.memref_slice %arg7[%mul3A_60] : memref<16384xf32, #tpu.memory_space<hbm>> -> memref<512xf32, #tpu.memory_space<hbm>>
    tpu.wait_dma2 semaphore(%arg21 : memref<!tpu.dma_semaphore, #tpu.memory_space<semaphore_mem>>) src(%arg15 : memref<512xf32, #tpu.memory_space<vmem>>) dst(%dma_wait3A_181 : memref<512xf32, #tpu.memory_space<hbm>>)
    %dma_wait3A_182 = tpu.memref_slice %arg8[%mul3A_60] : memref<16384xf32, #tpu.memory_space<hbm>> -> memref<512xf32, #tpu.memory_space<hbm>>
    %dma_wait3A_183 = tpu.memref_slice %arg8[%mul3A_60] : memref<16384xf32, #tpu.memory_space<hbm>> -> memref<512xf32, #tpu.memory_space<hbm>>
    tpu.wait_dma2 semaphore(%arg21 : memref<!tpu.dma_semaphore, #tpu.memory_space<semaphore_mem>>) src(%arg16 : memref<512xf32, #tpu.memory_space<vmem>>) dst(%dma_wait3A_183 : memref<512xf32, #tpu.memory_space<hbm>>)
    %dma_wait3A_184 = tpu.memref_slice %arg9[%mul3A_60] : memref<16384xf32, #tpu.memory_space<hbm>> -> memref<512xf32, #tpu.memory_space<hbm>>
    %dma_wait3A_185 = tpu.memref_slice %arg9[%mul3A_60] : memref<16384xf32, #tpu.memory_space<hbm>> -> memref<512xf32, #tpu.memory_space<hbm>>
    tpu.wait_dma2 semaphore(%arg21 : memref<!tpu.dma_semaphore, #tpu.memory_space<semaphore_mem>>) src(%arg17 : memref<512xf32, #tpu.memory_space<vmem>>) dst(%dma_wait3A_185 : memref<512xf32, #tpu.memory_space<hbm>>)
    return
  }
}

module attributes {stable_mosaic.version = 14 : i64} {
  func.func @_tc_body(%arg0: memref<16384xf32, #tpu.memory_space<vmem>>, %arg1: memref<16384xf32, #tpu.memory_space<vmem>>, %arg2: memref<16384xf32, #tpu.memory_space<vmem>>, %arg3: memref<32x48xf32, #tpu.memory_space<vmem>>, %arg4: memref<16384xf32, #tpu.memory_space<vmem>>) attributes {dimension_semantics = [], scalar_prefetch = 0 : i64, scratch_operands = 0 : i64, tpu.core_type = #tpu.core_type<tc>} {
    %get3A = arith.constant 0 : index
    %get3A_0 = arith.constant 0 : index
    %get3A_1 = vector.load %arg3[%get3A, %get3A_0] : memref<32x48xf32, #tpu.memory_space<vmem>>, vector<32x48xf32>
    %slice3A = vector.extract_strided_slice %get3A_1 {offsets = [0, 0], sizes = [32, 16], strides = [1, 1]} : vector<32x48xf32> to vector<32x16xf32>
    %reduce_sum3A = vector.shape_cast %slice3A : vector<32x16xf32> to vector<1x32x16xf32>
    %reduce_sum3A_2 = arith.constant dense<0.000000e+00> : vector<1xf32>
    %reduce_sum3A_3 = vector.multi_reduction <add>, %reduce_sum3A, %reduce_sum3A_2 [1, 2] : vector<1x32x16xf32> to vector<1xf32>
    %reduce_sum3A_4 = vector.shape_cast %reduce_sum3A_3 : vector<1xf32> to vector<1x1x1xf32>
    %reduce_sum3A_5 = vector.extract %reduce_sum3A_4[0, 0, 0] : f32 from vector<1x1x1xf32>
    %slice3A_6 = vector.extract_strided_slice %get3A_1 {offsets = [0, 16], sizes = [32, 16], strides = [1, 1]} : vector<32x48xf32> to vector<32x16xf32>
    %reduce_sum3A_7 = vector.shape_cast %slice3A_6 : vector<32x16xf32> to vector<1x32x16xf32>
    %reduce_sum3A_8 = arith.constant dense<0.000000e+00> : vector<1xf32>
    %reduce_sum3A_9 = vector.multi_reduction <add>, %reduce_sum3A_7, %reduce_sum3A_8 [1, 2] : vector<1x32x16xf32> to vector<1xf32>
    %reduce_sum3A_10 = vector.shape_cast %reduce_sum3A_9 : vector<1xf32> to vector<1x1x1xf32>
    %reduce_sum3A_11 = vector.extract %reduce_sum3A_10[0, 0, 0] : f32 from vector<1x1x1xf32>
    %slice3A_12 = vector.extract_strided_slice %get3A_1 {offsets = [0, 32], sizes = [32, 16], strides = [1, 1]} : vector<32x48xf32> to vector<32x16xf32>
    %reduce_sum3A_13 = vector.shape_cast %slice3A_12 : vector<32x16xf32> to vector<1x32x16xf32>
    %reduce_sum3A_14 = arith.constant dense<0.000000e+00> : vector<1xf32>
    %reduce_sum3A_15 = vector.multi_reduction <add>, %reduce_sum3A_13, %reduce_sum3A_14 [1, 2] : vector<1x32x16xf32> to vector<1xf32>
    %reduce_sum3A_16 = vector.shape_cast %reduce_sum3A_15 : vector<1xf32> to vector<1x1x1xf32>
    %reduce_sum3A_17 = vector.extract %reduce_sum3A_16[0, 0, 0] : f32 from vector<1x1x1xf32>
    %div3A = arith.constant 1.000000e+06 : f32
    %div3A_18 = arith.divf %reduce_sum3A_5, %div3A : f32
    %mul3A = arith.mulf %reduce_sum3A_5, %reduce_sum3A_5 : f32
    %div3A_19 = arith.constant 1.000000e+06 : f32
    %div3A_20 = arith.divf %mul3A, %div3A_19 : f32
    %sub3A = arith.subf %reduce_sum3A_11, %div3A_20 : f32
    %sub3A_21 = arith.constant 1.000000e+06 : f32
    %sub3A_22 = arith.constant 1.000000e+00 : f32
    %sub3A_23 = arith.subf %sub3A_21, %sub3A_22 : f32
    %div3A_24 = arith.divf %sub3A, %sub3A_23 : f32
    %rsqrt3A = math.rsqrt %div3A_24 : f32
    %div3A_25 = arith.constant 1.000000e+05 : f32
    %div3A_26 = arith.divf %reduce_sum3A_17, %div3A_25 : f32
    %get3A_27 = arith.constant 0 : index
    %get3A_28 = vector.load %arg1[%get3A_27] : memref<16384xf32, #tpu.memory_space<vmem>>, vector<16384xf32>
    %get3A_29 = arith.constant 0 : index
    %get3A_30 = vector.load %arg0[%get3A_29] : memref<16384xf32, #tpu.memory_space<vmem>>, vector<16384xf32>
    %sub3A_31 = vector.broadcast %div3A_18 : f32 to vector<16384xf32>
    %sub3A_32 = arith.subf %get3A_30, %sub3A_31 : vector<16384xf32>
    %mul3A_33 = vector.broadcast %rsqrt3A : f32 to vector<16384xf32>
    %mul3A_34 = arith.mulf %sub3A_32, %mul3A_33 : vector<16384xf32>
    %get3A_35 = arith.constant 0 : index
    %get3A_36 = vector.load %arg2[%get3A_35] : memref<16384xf32, #tpu.memory_space<vmem>>, vector<16384xf32>
    %sub3A_37 = vector.broadcast %div3A_26 : f32 to vector<16384xf32>
    %sub3A_38 = arith.subf %get3A_36, %sub3A_37 : vector<16384xf32>
    %sub3A_39 = arith.subf %mul3A_34, %sub3A_38 : vector<16384xf32>
    %mul3A_40 = arith.mulf %get3A_28, %sub3A_39 : vector<16384xf32>
    %neg3A = arith.constant 0.000000e+00 : f32
    %neg3A_41 = vector.broadcast %neg3A : f32 to vector<16384xf32>
    %neg3A_42 = arith.subf %neg3A_41, %mul3A_40 : vector<16384xf32>
    %exp3A = math.exp %neg3A_42 : vector<16384xf32>
    %add3A = arith.constant 1.000000e+00 : f32
    %add3A_43 = vector.broadcast %add3A : f32 to vector<16384xf32>
    %add3A_44 = arith.addf %add3A_43, %exp3A : vector<16384xf32>
    %div3A_45 = arith.constant 1.000000e+00 : f32
    %div3A_46 = vector.broadcast %div3A_45 : f32 to vector<16384xf32>
    %div3A_47 = arith.divf %div3A_46, %add3A_44 : vector<16384xf32>
    %swap3A = arith.constant 0 : index
    %swap3A_48 = vector.load %arg4[%swap3A] : memref<16384xf32, #tpu.memory_space<vmem>>, vector<16384xf32>
    tpu.vector_store %arg4[%swap3A], %div3A_47 {strides = array<i32>} : memref<16384xf32, #tpu.memory_space<vmem>>, vector<16384xf32>,
    return
  }
}

</mosaic_0001>

<sc_bundles>
// kernel: kernel.4.cloned.1.call-start
scs
__scs_entry_jumppad:
0x0: {  	(pc) =	sbr.rel $0x88, $3  }
0x1: {  	(tag) =	ssettag $0x0;
	lr =	simm.s32 $0x1  }
0x2: {  	[smem:$0x3F9C] =	sst lr;
	_ =	strace $0xD0000000  }
0x3: {  	_ = 	snop  }
0x4: {  	_ = 	snop  }
0x5: {  	_ = 	snop  }
0x6: {  	_ = 	snop  }
0x7: {  	_ = 	snop  }
__scs_overlays_trampoline_lowered:
0x8: {  	[smem:$0x3FAB] =	sst s0  }
0x9: {  	[smem:$0x3FAC] =	sst s1  }
0xa: {  	[smem:$0x3FAD] =	sst s2  }
0xb: {  	[smem:$0x3FAE] =	sst s3  }
0xc: {  	[smem:$0x3FAF] =	sst s4  }
0xd: {  	[smem:$0x3FB0] =	sst s5  }
0xe: {  	[smem:$0x3FB1] =	sst s6  }
0xf: {  	[smem:$0x3FB2] =	sst s7  }
0x10: {  	[smem:$0x3FB3] =	sst s8  }
0x11: {  	[smem:$0x3FB4] =	sst s9;
	s0 =	simm.s32 @!p0 $0x0  }
0x12: {  	s1 =	sld [smem:$0x3F9A];
	s0 =	simm.s32 @p0 $0x1  }
0x13: {  	[smem:$0x3FB5] =	sst s0;
	s0 =	simm.s32 @!p1 $0x0  }
0x14: {  	s2 =	sld [smem:$0x3F99];
	s0 =	simm.s32 @p1 $0x1  }
0x15: {  	[smem:$0x3FB6] =	sst s0;
	s0 =	simm.s32 @!p2 $0x0  }
0x16: {  	s3 =	sld [smem:$0x3FDB];
	s0 =	simm.s32 @p2 $0x1  }
0x17: {  	s4 =	simm.s32 $0x1BF5;
	[smem:$0x3FB8] =	sst s0  }
0x18: {  	s0 =	sld [smem:$0x3F9B];
	_ =	swait.ge [sflag:s4], $0x0  }
0x19: {  	s7 =	sld [smem:$0x3F9C]  }
0x1a: {  	s8 =	sadd.s32 $0xFFFFE003, lr  }
0x1b: {  	s9 =	sadd.s32 $0xFFFFFEF7, lr;
	s5 =	simm.s32 $0xFFFFFFFF;
	p2 =	slt.u32 s8, $0xFFFFF086  }
0x1c: {  	p1 =	slt.u32 s9, $0xF7A;
	s5 =	simm.s32 @!p2 $0x0  }
0x1d: {  	s5 =	simm.s32 @p1 $0x1;
	p0 =	seq.s32 s7, s2  }
0x1e: {  	s7 =	smul.u32 @!p0 $0xF7A, s2;
	p2 =	seq.s32 @!p0 s5, $0x0  }
0x1f: {  	s9 =	smul.u32 $0xF7A, s1;
	s8 =	simm.s32 @!p0 $0x1BF5;
	p2 =	por !p2, p0  }
0x20: {  	[sflag:s8] =	ssyncset.s32 @!p0 $0xFFFFF086;
	s6 =	sadd.s32 @!p0 s3, s7;
	s7 =	simm.s32 @!p0 $0x108  }
0x21: {  	s3 =	sadd.s32 s3, s9;
	s6 =	sadd.s32 @!p0 $0x88, s6;
	s7 =	simm.s32 @p2 $0x1082  }
0x22: {  	[simem:s7], [sflag:s8] =	dma.local @!p0 [hbm:s6], $0xF7A  }
0x23: {  	s9 =	sor.u32 $0xD0000000, s2;
	s6 =	simm.s32 $0x108;
	_ =	swait.ge @!p0 [sflag:s8], $0x0  }
0x24: {  	s3 =	sadd.s32 $0x88, s3;
	s6 =	simm.s32 @!p1 $0x1082;
	[sflag:s4] =	ssyncset.s32 $0xFFFFF086  }
0x25: {  	[simem:s6], [sflag:s4] =	dma.local [hbm:s3], $0xF7A  }
0x26: {  	[smem:$0x3F9C] =	sst s1;
	(tag) =	ssettag s2;
	_ =	strace s9  }
0x27: {  	s1 =	sld [smem:$0x3FAC]  }
0x28: {  	s2 =	sld [smem:$0x3FAD]  }
0x29: {  	s4 =	sld [smem:$0x3FAF]  }
0x2a: {  	p0 =	seq.s32 s5, $0x0;
	s5 =	sld [smem:$0x3FB0]  }
0x2b: {  	s6 =	sld [smem:$0x3FB1]  }
0x2c: {  	s7 =	sld [smem:$0x3FB2]  }
0x2d: {  	s3 =	simm.s32 $0x108;
	s8 =	sld [smem:$0x3FB3]  }
0x2e: {  	s3 =	simm.s32 @!p0 $0x1082;
	s9 =	sld [smem:$0x3FB4]  }
0x2f: {  	lr =	sadd.s32 s0, s3;
	s0 =	sld [smem:$0x3FAB]  }
0x30: {  	s3 =	sld [smem:$0x3FAE]  }
0x31: {  	[smem:$0x3FB7] =	sst s10  }
0x32: {  	s10 =	sld [smem:$0x3FB5];
	_ =	sdelay $0x3  }
0x33: {  	p0 =	seq.s32 s10, $0x1;
	s10 =	sld [smem:$0x3FB7];
	_ =	sdelay $0x3  }
0x34: {  	[smem:$0x3FB7] =	sst s10  }
0x35: {  	s10 =	sld [smem:$0x3FB6];
	_ =	sdelay $0x3  }
0x36: {  	p1 =	seq.s32 s10, $0x1;
	s10 =	sld [smem:$0x3FB7];
	_ =	sdelay $0x3  }
0x37: {  	[smem:$0x3FB7] =	sst s10  }
0x38: {  	s10 =	sld [smem:$0x3FB8]  }
0x39: {  	_ = 	snop;
	(pc) =	sbr.ind lr, $3  }
0x3a: {  	_ = 	snop  }
0x3b: {  	_ = 	snop  }
0x3c: {  	p2 =	seq.s32 s10, $0x1;
	s10 =	sld [smem:$0x3FB7]  }
0x3d: {  	_ =	shalt  }
0x3e: {  	_ =	shalt  }
0x3f: {  	_ =	shalt  }
0x40: {  	_ =	shalt  }
0x41: {  	_ =	shalt  }
0x42: {  	_ =	shalt  }
0x43: {  	_ =	shalt  }
0x44: {  	_ =	shalt  }
0x45: {  	_ =	shalt  }
0x46: {  	_ =	shalt  }
0x47: {  	_ =	shalt  }
0x48: {  	_ =	shalt  }
0x49: {  	_ =	shalt  }
0x4a: {  	_ =	shalt  }
0x4b: {  	_ =	shalt  }
0x4c: {  	_ =	shalt  }
0x4d: {  	_ =	shalt  }
0x4e: {  	_ =	shalt  }
0x4f: {  	_ =	shalt  }
0x50: {  	_ =	shalt  }
0x51: {  	_ =	shalt  }
0x52: {  	_ =	shalt  }
0x53: {  	_ =	shalt  }
0x54: {  	_ =	shalt  }
0x55: {  	_ =	shalt  }
0x56: {  	_ =	shalt  }
0x57: {  	_ =	shalt  }
0x58: {  	_ =	shalt  }
0x59: {  	_ =	shalt  }
0x5a: {  	_ =	shalt  }
0x5b: {  	_ =	shalt  }
0x5c: {  	_ =	shalt  }
0x5d: {  	_ =	shalt  }
0x5e: {  	_ =	shalt  }
0x5f: {  	_ =	shalt  }
0x60: {  	_ =	shalt  }
0x61: {  	_ =	shalt  }
0x62: {  	_ =	shalt  }
0x63: {  	_ =	shalt  }
0x64: {  	_ =	shalt  }
0x65: {  	_ =	shalt  }
0x66: {  	_ =	shalt  }
0x67: {  	_ =	shalt  }
0x68: {  	_ =	shalt  }
0x69: {  	_ =	shalt  }
0x6a: {  	_ =	shalt  }
0x6b: {  	_ =	shalt  }
0x6c: {  	_ =	shalt  }
0x6d: {  	_ =	shalt  }
0x6e: {  	_ =	shalt  }
0x6f: {  	_ =	shalt  }
0x70: {  	_ =	shalt  }
0x71: {  	_ =	shalt  }
0x72: {  	_ =	shalt  }
0x73: {  	_ =	shalt  }
0x74: {  	_ =	shalt  }
0x75: {  	_ =	shalt  }
0x76: {  	_ =	shalt  }
0x77: {  	_ =	shalt  }
0x78: {  	_ =	shalt  }
0x79: {  	_ =	shalt  }
0x7a: {  	_ =	shalt  }
0x7b: {  	_ =	shalt  }
0x7c: {  	_ =	shalt  }
0x7d: {  	_ =	shalt  }
0x7e: {  	_ =	shalt  }
0x7f: {  	_ =	shalt  }
0x80: {  	_ =	shalt  }
0x81: {  	_ =	shalt  }
0x82: {  	_ =	shalt  }
0x83: {  	_ =	shalt  }
0x84: {  	_ =	shalt  }
0x85: {  	_ =	shalt  }
0x86: {  	_ =	shalt  }
0x87: {  	_ =	shalt  }
.Lfunc_end0:
.L_simem_size_0:
called_computation_lowered:
.L_overlay_start_0:
0x88: {  	s2 =	sld [smem:$0x3FD9]  }
0x89: {  	s3 =	sld [smem:$0x3FFE];
	_ =	sdelay $0x1  }
0x8a: {  	s1 =	srdreg.scid  }
0x8b: {  	s0 =	sand.u32 $0x1, s1  }
0x8c: {  	s17 =	sshll.u32 s0, $0xA;
	s2 =	sadd.s32 s3, s2  }
0x8d: {  	s2 =	sadd.s32 s2, s17  }
0x8e: {  	[smem:$0x3FC3] =	sst s2  }
0x8f: {  	_ = 	snop  }
0x90: {  	s2 =	sld [smem:$0x3FC9]  }
0x91: {  	s18 =	sld [smem:$0x3FC8]  }
0x92: {  	s4 =	sld [smem:$0x3FC7]  }
0x93: {  	s5 =	sld [smem:$0x3FC6]  }
0x94: {  	s6 =	sld [smem:$0x3FC5]  }
0x95: {  	s7 =	sld [smem:$0x3FD0];
	(tm) =	ssettm $0x1  }
0x96: {  	s8 =	sld [smem:$0x3FFB];
	_ =	sdelay $0x3  }
0x97: {  	_ =	strace s8  }
0x98: {  	s8 =	sld [smem:$0x3FFC];
	_ =	sdelay $0x3  }
0x99: {  	_ =	strace s8  }
0x9a: {  	s8 =	sld [smem:$0x3FFD];
	_ =	sdelay $0x3  }
0x9b: {  	_ =	strace s8  }
0x9c: {  	_ =	strace $0x8FFFFFFF  }
0x9d: {  	s19 =	sld [smem:$0x3FDB];
	_ =	sdelay $0x1  }
0x9e: {  	s9 =	simm.s32 $_scs_section_size  }
0x9f: {  	s10 =	simm.s32 $_size__tile_overlayer_lowered;
	s11 =	simm.s32 $_tile_overlayer_lowered  }
0xa0: {  	s22 =	simm.s32 $0x1BFF;
	s21 =	sshll.u32 s11, $0x1;
	s8 =	sadd.s32 s9, s19  }
0xa1: {  	s12 =	simm.s32 $0x0;
	s20 =	sshll.u32 s10, $0x1;
	s10 =	sadd.s32 s21, s8  }
0xa2: {  	[timem:s12], [sflag:s22] =	dma.local [hbm:s10], s20  }
0xa3: {  	_ =	swait.ge [sflag:s22], s20  }
0xa4: {  	s9 =	ssub.s32 $0x0, s20;
	[sflag:s22] =	ssyncset.done $0x0  }
0xa5: {  	[sflag:s22] =	ssyncadd.s32 s9;
	_ =	sdelay $0x1  }
0xa6: {  	s23 =	simm.s32 $0x1B8B  }
0xa7: {  	_ =	swait.ge [sflag:s23], $0x1  }
0xa8: {  	[sflag:s23] =	ssyncset.done $0x0  }
0xa9: {  	s25 =	simm.s32 $0x1B8E;
	s24 =	sld [smem:$0x3FFE];
	[sflag:s23] =	ssyncadd.s32 $0xFFFFFFFF  }
0xaa: {  	s26 =	simm.s32 $execute0_lowered;
	[smem:$0x3FD2] =	sst s25  }
0xab: {  	s10 =	sshll.u32 s26, $0x1;
	_ =	strace $0x80000046;
	[dreg:$0x1] =	wrdreg $0xFFFFFFFF  }
0xac: {  	s28 =	simm.s32 $_size_execute0_lowered;
	s8 =	sadd.s32 s8, s10;
	[dreg:$0x0] =	wrdreg $0x0  }
0xad: {  	s10 =	sshll.u32 s28, $0x1;
	[dreg:$0x2] =	wrdreg s8  }
0xae: {  	[dreg:$0x3] =	wrdreg s10  }
0xaf: {  	[dreg:$0x4] =	wrdreg $0xC0  }
0xb0: {  	_ =	task [dreg:s12], $0x5FFFF  }
0xb1: {  	[dreg:$0x1] =	wrdreg $0xFFFFFFFF  }
0xb2: {  	[dreg:$0x0] =	wrdreg $0x60  }
0xb3: {  	[dreg:$0x2] =	wrdreg s2  }
0xb4: {  	[dreg:$0x3] =	wrdreg s18  }
0xb5: {  	[dreg:$0x4] =	wrdreg s4  }
0xb6: {  	[dreg:$0x5] =	wrdreg s5  }
0xb7: {  	[dreg:$0x6] =	wrdreg s6  }
0xb8: {  	[dreg:$0x7] =	wrdreg s7  }
0xb9: {  	[dreg:$0x8] =	wrdreg s24  }
0xba: {  	[dreg:$0x9] =	wrdreg $0x9  }
0xbb: {  	_ =	task.clear_ibuf [dreg:s12], $0xAFFFF;
	_ =	strace $0x90000046  }
0xbc: {  	s29 =	simm.s32 $0x9;
	_ =	strace $0x80000048  }
0xbd: {  	_ =	swait.ge [sflag:s29], $0x1  }
0xbe: {  	[sflag:s29] =	ssyncadd.s32 $0xFFFFFFFF  }
0xbf: {  	_ =	strace $0x90000048  }
0xc0: {  	_ =	sfence  }
0xc1: {  	s30 =	sld [smem:$0x0];
	_ =	sdelay $0x2  }
0xc2: {  	s31 =	sshll.u32 s1, $0xD;
	s1 =	sshrl.u32 s1, $0x2  }
0xc3: {  	s3 =	sand.u32 $0x4000, s31;
	s1 =	sadd.s32 s1, s30  }
0xc4: {  	s0 =	sor.u32 s3, s0;
	s1 =	sshll.u32 s1, $0x11  }
0xc5: {  	s0 =	sor.u32 s1, s0  }
0xc6: {  	s0 =	sadd.s32 $0x8F2B, s0  }
0xc7: {  	[sflag:s0] =	ssyncadd.remote.s32 $0x1  }
0xc8: {  	_ =	sfence.sel $0xFFFF  }
0xc9: {  	[dreg:$0x0] =	wrdreg $0xFFFFFFFF;
	(pc) =	sbr.abs _section_cstart, $3  }
0xca: {  	[dreg:$0x1] =	wrdreg $0xFFFFFFFF  }
0xcb: {  	_ =	task.clear_ibuf [dreg:s12], $0x2FFFF;
	_ =	strace $0x9FFFFFFF  }
0xcc: {  	(tm) =	ssettm $0x7FFFFFFF  }
0xcd: {  	_ =	shalt  }
tec
execute0_lowered:
.L_overlay_start_1:
0x0: {  	(tag) =	ssettag $0x1  }
0x1: {  	s0 =	rddreg [dreg:$0x0]  }
0x2: {  	s1 =	rddreg [dreg:$0x1]  }
0x3: {  	s10 =	rddreg [dreg:$0x2]  }
0x4: {  	s11 =	rddreg [dreg:$0x4]  }
0x5: {  	s2 =	rddreg [dreg:$0x5]  }
0x6: {  	s3 =	rddreg [dreg:$0x6]  }
0x7: {  	s4 =	srdreg.scid;
	s19 =	stileid.u32  }
0x8: {  	s5 =	simm.s32 $0x0;
	s28 =	simm.s32 $0x200;
	s29 =	simm.s32 $0x8B00  }
0x9: {  	s30 =	simm.s32 $0x8D00;
	s31 =	simm.s32 $0x8F00;
	s4 =	sand.u32 $0x1, s4  }
0xa: {  	s6 =	sshll.u32 s19, $0x1;
	[smem:$0x7FF] =	sst s5;
	p0 =	sgt.u32 s19, $0x1  }
0xb: {  	p1 =	sgt.u32 s19, $0x4;
	s6 =	sor.u32 s4, s6;
	_ =	strace $0x80000047  }
0xc: {  	s4 =	ssub.s32 $0x2, s4;
	s15 =	sshll.u32 s6, $0x6;
	s8 =	smul.u32 $0x7A10, s6  }
0xd: {  	s7 =	sshll.u32 s6, $0x4;
	s9 =	smin.u32 s6, $0x4;
	s24 =	smul.u32 $0xC30, s6  }
0xe: {  	s6 =	smin.u32 s6, $0xA;
	s25 =	sshrl.u32 s4, $0x1;
	s17 =	sadd.s32 s15, s3  }
0xf: {  	s3 =	sadd.s32 s7, s3;
	s23 =	sshll.u32 s9, $0x4;
	s6 =	sshll.u32 s6, $0x4  }
0x10: {  	s4 =	ssub.s32 s4, s25;
	s12 =	sadd.s32 s0, s15;
	s13 =	sadd.s32 s1, s15  }
0x11: {  	s15 =	sadd.s32 s2, s15;
	s25 =	simm.s32 $0x8900;
	s0 =	simm.s32 $0x1  }
0x12: {  	s2 =	simm.s32 $0x9100;
	s1 =	simm.s32 $0x3;
	s7 =	sadd.s32 s8, s23  }
0x13: {  	s8 =	sadd.s32 s24, s6;
	s14 =	sadd.s32 $0x2000, s3;
	s16 =	sadd.s32 $0x1000, s17  }
0x14: {  	s17 =	sadd.s32 $0x1800, s17;
	s18 =	smax.u32 s4, $0x1;
	s23 =	simm.s32 $0x86B0  }
0x15: {  	s24 =	simm.s32 $0x8700;
	s4 =	simm.s32 $0x2;
	s7 =	sshrl.u32 s7, $0x3  }
0x16: {  	s3 =	simm.s32 $0x0;
	s26 =	sshrl.u32 s8, $0x3;
	s6 =	sadd.s32 s10, s7  }
0x17: {  	s9 =	sadd.s32 s11, s26;
	s26 =	simm.s32 $0x4;
	s7 =	sadd.s32 $0x516, s6  }
0x18: {  	s8 =	sadd.s32 $0xA2C, s6;
	s10 =	sadd.s32 $0xF42, s6;
	s11 =	sadd.s32 $0x186, s9  }
.LBB2_1:
0x19: {  	[tilespmem:s5], [sflag:$0x1] =	stream.linear.gather [hbm4b:s6+s5], $0x28B0, $0x38;
	[tilespmem:$0x9180] =	vst v63  }
0x1a: {  	s19 =	simm.s32 $0x28B0  }
0x1b: {  	[tilespmem:s19], [sflag:$0x1] =	stream.linear.gather [hbm4b:s7+s5], $0x28B0, $0x38;
	[tilespmem:$0x9180] =	vst v63  }
0x1c: {  	s22 =	simm.s32 $0x5160  }
0x1d: {  	[tilespmem:s22], [sflag:$0x1] =	stream.linear.gather [hbm4b:s8+s5], $0x28B0, $0x38;
	[tilespmem:$0x9180] =	vst v63  }
0x1e: {  	s20 =	simm.s32 $0x7A80  }
0x1f: {  	[tilespmem:s20], [sflag:$0x2] =	stream.linear.gather [hbm4b:s9+s5], $0xC30, $0x38;
	[tilespmem:$0x9180] =	vst v63  }
0x20: {  	s21 =	simm.s32 $0x7A10  }
0x21: {  	[tilespmem:s21], [sflag:$0x1] =	stream.linear.gather [hbm4b:s10+s5], $0x10, $0x38;
	[tilespmem:$0x9180] =	vst v63  }
0x22: {  	_ = 	snop  }
0x23: {  	[tilespmem:s23], [sflag:$0x2] =	stream.linear.gather [hbm4b:s11+s5], $0x10, $0x38;
	[tilespmem:$0x9180] =	vst v63  }
0x24: {  	_ = 	snop  }
0x25: {  	[tilespmem:s24], [sflag:$0x4] =	stream.linear.gather [hbm4b:s12+s5], $0x200, $0x38;
	[tilespmem:$0x9180] =	vst v63  }
0x26: {  	_ = 	snop  }
0x27: {  	[tilespmem:s25], [sflag:$0x4] =	stream.linear.gather [hbm4b:s13+s5], $0x200, $0x38;
	[tilespmem:$0x9180] =	vst v63  }
0x28: {  	_ =	swait.ge [sflag:s26], $0x200  }
0x29: {  	[sflag:s26] =	ssyncset.done $0x0  }
0x2a: {  	[sflag:s26] =	ssyncadd.s32 $0xFFFFFE00  }
0x2b: {  	_ =	swait.ge [sflag:s26], $0x200  }
0x2c: {  	[sflag:s26] =	ssyncset.done $0x0  }
0x2d: {  	[sflag:s26] =	ssyncadd.s32 $0xFFFFFE00  }
0x2e: {  	s22 =	rddreg [dreg:$0x2]  }
0x2f: {  	[tilespmem:s29], [sflag:$0x3] =	stream.indirect.gather [hbm4b:s22+s28], $0x1, s24, s28, $0xb8;
	[tilespmem:$0x9180] =	vst v63  }
0x30: {  	s20 =	rddreg [dreg:$0x3]  }
0x31: {  	[tilespmem:s30], [sflag:$0x3] =	stream.indirect.gather [hbm4b:s20+s28], $0x1, s25, s28, $0xb8;
	[tilespmem:$0x9180] =	vst v63  }
0x32: {  	s21 =	rddreg [dreg:$0x4]  }
0x33: {  	[tilespmem:s31], [sflag:$0x3] =	stream.indirect.gather [hbm4b:s21+s28], $0x1, s25, s28, $0xb8;
	[tilespmem:$0x9180] =	vst v63  }
0x34: {  	_ =	swait.ge [sflag:s0], $0x28B0  }
0x35: {  	[sflag:s0] =	ssyncset.done $0x0  }
0x36: {  	s20 =	simm.s32 $0x40;
	[sflag:s0] =	ssyncadd.s32 $0xFFFFD750  }
0x37: {  	v1 =	vld [tilespmem:s20+$0xFFFFFFF0]  }
0x38: {  	v7 =	vld [tilespmem:s20+$0x0]  }
0x39: {  	v3 =	vld [tilespmem:s20+$0xFFFFFFC0]  }
0x3a: {  	v4 =	vld [tilespmem:s20+$0xFFFFFFE0]  }
0x3b: {  	v5 =	vld [tilespmem:s20+$0xFFFFFFD0]  }
0x3c: {  	s22 =	sand.u32 $0x7FF0, s5;
	v8 =	vld [tilespmem:s20+$0x10]  }
0x3d: {  	s19 =	simm.s32 $0xD0;
	v10 =	vld [tilespmem:s22+$0x80]  }
0x3e: {  	v9 =	vimm.f32 $0.0e+00;
	v0 =	vld [tilespmem:s19+$0xFFFFFFF0]  }
0x3f: {  	v2 =	vld [tilespmem:s19+$0x0];
	v6 =	vmul.f32 v3, v3;
	v12 =	vmul.f32 v7, v7;
	v13 =	vadd.f32 v4, v9  }
0x40: {  	s21 =	simm.s32 $0x90;
	v14 =	vmul.f32 v4, v4;
	v4 =	vld [tilespmem:s20+$0x30];
	v16 =	vadd.f32 v5, v9;
	v17 =	vmul.f32 v5, v5  }
0x41: {  	s21 =	sand.u32 $0x7FF0, s21;
	v11 =	vadd.f32 v3, v9;
	v18 =	vmul.f32 v8, v8;
	v15 =	vadd.f32 v6, v9;
	v6 =	vld [tilespmem:s20+$0x20]  }
0x42: {  	v5 =	vld [tilespmem:s21+$0x80];
	v19 =	vmul.f32 v1, v1;
	v14 =	vadd.f32 v14, v9;
	v17 =	vadd.f32 v17, v9  }
0x43: {  	v3 =	vld [tilespmem:s19+$0xFFFFFFC0];
	v20 =	vadd.f32 v8, v13;
	v13 =	vadd.f32 v7, v16  }
0x44: {  	v22 =	vmul.f32 v10, v10;
	v9 =	vld [tilespmem:s19+$0xFFFFFFE0];
	v21 =	vadd.f32 v18, v14;
	v14 =	vadd.f32 v19, v15  }
0x45: {  	v8 =	vld [tilespmem:s19+$0xFFFFFFD0];
	v17 =	vadd.f32 v12, v17;
	v15 =	vadd.f32 v10, v20  }
0x46: {  	s21 =	simm.s32 $0x160;
	s20 =	simm.s32 $0x120;
	v7 =	vld [tilespmem:s19+$0x10];
	v12 =	vmovc v2;
	v18 =	vmul.f32 v4, v4;
	v10 =	vadd.f32 v22, v21;
	v16 =	vmul.f32 v6, v6  }
.LBB2_2:
0x47: {  	v19 =	vmov v5;
	v20 =	vmov v0  }
0x48: {  	p2 =	sne.s32 s20, $0x27F0;
	v21 =	vmul.f32 v12, v2;
	v5 =	vadd.f32 v1, v11;
	v17 =	vadd.f32 v18, v17;
	v1 =	vmovc v0;
	s22 =	smov.u32 s20;
	s20 =	sadd.s32 $0x90, s20;
	v0 =	vld [tilespmem:s21+$0xFFFFFFF0]  }
0x49: {  	v13 =	vadd.f32 v4, v13;
	v11 =	vmul.f32 v3, v3;
	v14 =	vadd.f32 v16, v14;
	v22 =	vmovc v19;
	v12 =	vld [tilespmem:s21+$0x0]  }
0x4a: {  	v15 =	vadd.f32 v9, v15;
	v9 =	vmul.f32 v9, v9;
	v16 =	vadd.f32 v6, v5;
	v4 =	vld [tilespmem:s19+$0x30]  }
0x4b: {  	s22 =	sand.u32 $0x7FF0, s22;
	v14 =	vadd.f32 v11, v14;
	v13 =	vadd.f32 v8, v13;
	v8 =	vmul.f32 v8, v8;
	v6 =	vld [tilespmem:s19+$0x20];
	s19 =	smov.u32 s21  }
.Ltmp0:
0x4c: {  	v11 =	vadd.f32 v3, v16;
	v10 =	vadd.f32 v9, v10;
	v16 =	vmul.f32 v7, v7;
	v5 =	vld [tilespmem:s22+$0x80];
	(pc) =	sbr.rel @p2 .LBB2_2-.Ltmp0, $4  }
0x4d: {  	v18 =	vmul.f32 v20, v1;
	v15 =	vadd.f32 v7, v15;
	v17 =	vadd.f32 v8, v17;
	v3 =	vld [tilespmem:s21+$0xFFFFFFC0]  }
0x4e: {  	v19 =	vmul.f32 v19, v22;
	v13 =	vadd.f32 v2, v13;
	v10 =	vadd.f32 v16, v10;
	v9 =	vld [tilespmem:s21+$0xFFFFFFE0];
	v2 =	vmovc v12  }
0x4f: {  	v14 =	vadd.f32 v18, v14;
	v17 =	vadd.f32 v21, v17;
	v8 =	vld [tilespmem:s21+$0xFFFFFFD0];
	v18 =	vmul.f32 v4, v4  }
0x50: {  	v15 =	vadd.f32 v22, v15;
	s21 =	sadd.s32 $0x90, s21;
	v10 =	vadd.f32 v19, v10;
	v7 =	vld [tilespmem:s19+$0x10];
	v16 =	vmul.f32 v6, v6  }
0x51: {  	v19 =	vld [tilespmem:s19+$0x30];
	v1 =	vadd.f32 v1, v11;
	v11 =	vmul.f32 v12, v2;
	v12 =	vadd.f32 v18, v17  }
0x52: {  	v20 =	vld [tilespmem:s19+$0x20];
	_ =	swait.ge [sflag:s0], $0x28B0;
	v4 =	vadd.f32 v4, v13;
	v17 =	vmul.f32 v3, v3;
	v14 =	vadd.f32 v16, v14  }
0x53: {  	[sflag:s0] =	ssyncset.done $0x0;
	v13 =	vadd.f32 v9, v15;
	v9 =	vmul.f32 v9, v9;
	v6 =	vadd.f32 v6, v1  }
0x54: {  	s20 =	simm.s32 $0x28F0;
	[sflag:s0] =	ssyncadd.s32 $0xFFFFD750;
	v14 =	vadd.f32 v17, v14;
	v4 =	vadd.f32 v8, v4;
	v8 =	vmul.f32 v8, v8  }
0x55: {  	v1 =	vld [tilespmem:s20+$0xFFFFFFC0];
	v3 =	vadd.f32 v3, v6;
	v6 =	vadd.f32 v9, v10;
	v9 =	vmul.f32 v7, v7  }
0x56: {  	v15 =	vld [tilespmem:s20+$0xFFFFFFD0];
	v7 =	vadd.f32 v7, v13;
	v8 =	vadd.f32 v8, v12  }
0x57: {  	v10 =	vmul.f32 v0, v0;
	v2 =	vadd.f32 v2, v4;
	v4 =	vadd.f32 v9, v6;
	v9 =	vld [tilespmem:s20+$0xFFFFFF90]  }
0x58: {  	v6 =	vmul.f32 v5, v5;
	v8 =	vadd.f32 v11, v8;
	v11 =	vld [tilespmem:s20+$0xFFFFFFB0]  }
0x59: {  	s22 =	simm.s32 $0x2880;
	v10 =	vadd.f32 v10, v14;
	v14 =	vmul.f32 v20, v20;
	v5 =	vadd.f32 v5, v7;
	v7 =	vld [tilespmem:s20+$0xFFFFFFA0]  }
0x5a: {  	s19 =	sand.u32 $0xFFF0, s22;
	v17 =	vld [tilespmem:s20+$0xFFFFFFE0];
	v13 =	vmul.f32 v19, v19;
	v3 =	vadd.f32 v0, v3  }
0x5b: {  	v12 =	vld [tilespmem:s19+$0x80];
	s19 =	simm.s32 $0x2980;
	v16 =	vadd.f32 v6, v4;
	v6 =	vadd.f32 v14, v10  }
0x5c: {  	v0 =	vld [tilespmem:s19+$0xFFFFFFC0];
	v10 =	vadd.f32 v19, v2;
	v8 =	vadd.f32 v13, v8;
	v13 =	vmul.f32 v9, v9  }
0x5d: {  	v3 =	vadd.f32 v20, v3;
	v2 =	vld [tilespmem:s19+$0xFFFFFFD0];
	v14 =	vadd.f32 v11, v5;
	v19 =	vmul.f32 v11, v11  }
0x5e: {  	s21 =	simm.s32 $0x2910;
	v4 =	vld [tilespmem:s20+$0x0];
	v20 =	vadd.f32 v13, v6;
	v13 =	vadd.f32 v7, v10;
	v7 =	vmul.f32 v7, v7  }
0x5f: {  	s21 =	sand.u32 $0xFFF0, s21;
	v5 =	vld [tilespmem:s20+$0xFFFFFFF0];
	v11 =	vadd.f32 v9, v3;
	v9 =	vadd.f32 v19, v16;
	v16 =	vmul.f32 v17, v17  }
0x60: {  	v6 =	vld [tilespmem:s21+$0x80];
	v19 =	vadd.f32 v17, v14;
	v7 =	vadd.f32 v7, v8;
	v8 =	vmul.f32 v1, v1  }
0x61: {  	v18 =	vmul.f32 v15, v15;
	v3 =	vld [tilespmem:s19+$0xFFFFFF90];
	v13 =	vadd.f32 v15, v13  }
0x62: {  	v22 =	vmul.f32 v12, v12;
	v10 =	vld [tilespmem:s19+$0xFFFFFFB0];
	v21 =	vadd.f32 v16, v9;
	v15 =	vadd.f32 v12, v19  }
0x63: {  	v9 =	vld [tilespmem:s19+$0xFFFFFFA0];
	v14 =	vadd.f32 v8, v20;
	v17 =	vadd.f32 v18, v7  }
0x64: {  	s20 =	simm.s32 $0x29A0;
	s21 =	simm.s32 $0x2A10;
	v18 =	vmul.f32 v4, v4;
	v7 =	vld [tilespmem:s19+$0xFFFFFFE0];
	v16 =	vmul.f32 v5, v5;
	v12 =	vadd.f32 v22, v21;
	v8 =	vmovc v2  }
.LBB2_4:
0x65: {  	v19 =	vmov v6;
	v20 =	vmov v0  }
0x66: {  	p2 =	sne.s32 s20, $0x5070;
	v21 =	vmul.f32 v8, v2;
	v6 =	vadd.f32 v1, v11;
	v17 =	vadd.f32 v18, v17;
	v1 =	vmovc v0;
	s22 =	smov.u32 s20;
	s20 =	sadd.s32 $0x90, s20;
	v0 =	vld [tilespmem:s21+$0xFFFFFFC0]  }
0x67: {  	v13 =	vadd.f32 v4, v13;
	v11 =	vmul.f32 v3, v3;
	v14 =	vadd.f32 v16, v14;
	v22 =	vmovc v19;
	v8 =	vld [tilespmem:s21+$0xFFFFFFD0]  }
0x68: {  	v15 =	vadd.f32 v10, v15;
	v10 =	vmul.f32 v10, v10;
	v16 =	vadd.f32 v5, v6;
	v4 =	vld [tilespmem:s19+$0x0]  }
0x69: {  	s22 =	sand.u32 $0xFFF0, s22;
	v14 =	vadd.f32 v11, v14;
	v13 =	vadd.f32 v9, v13;
	v9 =	vmul.f32 v9, v9;
	v5 =	vld [tilespmem:s19+$0xFFFFFFF0];
	s19 =	smov.u32 s21  }
.Ltmp1:
0x6a: {  	v11 =	vadd.f32 v3, v16;
	v12 =	vadd.f32 v10, v12;
	v16 =	vmul.f32 v7, v7;
	v6 =	vld [tilespmem:s22+$0x80];
	(pc) =	sbr.rel @p2 .LBB2_4-.Ltmp1, $4  }
0x6b: {  	v18 =	vmul.f32 v20, v1;
	v15 =	vadd.f32 v7, v15;
	v17 =	vadd.f32 v9, v17;
	v3 =	vld [tilespmem:s21+$0xFFFFFF90]  }
0x6c: {  	v19 =	vmul.f32 v19, v22;
	v13 =	vadd.f32 v2, v13;
	v12 =	vadd.f32 v16, v12;
	v10 =	vld [tilespmem:s21+$0xFFFFFFB0];
	v2 =	vmovc v8  }
0x6d: {  	v14 =	vadd.f32 v18, v14;
	v17 =	vadd.f32 v21, v17;
	v9 =	vld [tilespmem:s21+$0xFFFFFFA0];
	v18 =	vmul.f32 v4, v4  }
0x6e: {  	v15 =	vadd.f32 v22, v15;
	s21 =	sadd.s32 $0x90, s21;
	v12 =	vadd.f32 v19, v12;
	v7 =	vld [tilespmem:s19+$0xFFFFFFE0];
	v16 =	vmul.f32 v5, v5  }
0x6f: {  	v19 =	vld [tilespmem:s19+$0x0]  }
0x70: {  	v20 =	vld [tilespmem:s19+$0xFFFFFFF0];
	v1 =	vadd.f32 v1, v11;
	_ =	swait.ge [sflag:s0], $0x28B0  }
0x71: {  	v11 =	vadd.f32 v18, v17;
	v17 =	vmul.f32 v3, v3;
	v14 =	vadd.f32 v16, v14;
	[sflag:s0] =	ssyncset.done $0x0  }
0x72: {  	v4 =	vadd.f32 v4, v13;
	s21 =	simm.s32 $0x0;
	v8 =	vmul.f32 v8, v2;
	v1 =	vadd.f32 v5, v1;
	[sflag:s0] =	ssyncadd.s32 $0xFFFFD750  }
0x73: {  	v13 =	vadd.f32 v10, v15;
	v10 =	vmul.f32 v10, v10;
	v5 =	vadd.f32 v17, v14;
	v14 =	vld [tilespmem:s21+$0x5150]  }
0x74: {  	v4 =	vadd.f32 v9, v4;
	v9 =	vmul.f32 v9, v9;
	v15 =	vld [tilespmem:s21+$0x5120];
	v1 =	vadd.f32 v3, v1  }
0x75: {  	v17 =	vld [tilespmem:s21+$0x5130];
	v3 =	vadd.f32 v10, v12;
	v12 =	vmul.f32 v7, v7;
	v7 =	vadd.f32 v7, v13  }
0x76: {  	v10 =	vld [tilespmem:s21+$0x5170];
	v9 =	vadd.f32 v9, v11;
	v11 =	vmul.f32 v0, v0;
	v2 =	vadd.f32 v2, v4  }
0x77: {  	v4 =	vld [tilespmem:s21+$0x5110];
	v3 =	vadd.f32 v12, v3;
	v12 =	vmul.f32 v6, v6;
	v6 =	vadd.f32 v6, v7  }
0x78: {  	v13 =	vmul.f32 v20, v20;
	v7 =	vld [tilespmem:s21+$0x5140];
	v0 =	vadd.f32 v0, v1;
	v5 =	vadd.f32 v11, v5  }
0x79: {  	s20 =	simm.s32 $0x5100;
	v11 =	vld [tilespmem:s21+$0x5100];
	v8 =	vadd.f32 v8, v9;
	v9 =	vmul.f32 v19, v19;
	v3 =	vadd.f32 v12, v3  }
0x7a: {  	s22 =	sand.u32 $0xFFF0, s20;
	v12 =	vadd.f32 v19, v2;
	v2 =	vld [tilespmem:s21+$0x5160];
	v6 =	vadd.f32 v15, v6  }
0x7b: {  	s21 =	simm.s32 $0x90;
	v16 =	vmul.f32 v15, v15;
	v8 =	vadd.f32 v9, v8;
	v9 =	vadd.f32 v13, v5;
	v13 =	vld [tilespmem:s22+$0x80]  }
0x7c: {  	v19 =	vmul.f32 v17, v17;
	v5 =	vld [tilespmem:s21+$0x5170];
	v1 =	vadd.f32 v4, v12;
	v12 =	vadd.f32 v20, v0  }
0x7d: {  	v15 =	vmul.f32 v14, v14;
	v22 =	vld [tilespmem:s21+$0x5110];
	v4 =	vmul.f32 v4, v4;
	v6 =	vadd.f32 v14, v6  }
0x7e: {  	v0 =	vld [tilespmem:s21+$0x5150];
	v18 =	vadd.f32 v7, v1;
	v21 =	vadd.f32 v11, v12;
	v11 =	vmul.f32 v11, v11  }
0x7f: {  	v20 =	vmul.f32 v10, v10;
	v14 =	vadd.f32 v16, v3;
	v1 =	vld [tilespmem:s21+$0x5120];
	v8 =	vadd.f32 v4, v8  }
0x80: {  	v7 =	vmul.f32 v7, v7;
	v10 =	vadd.f32 v10, v18;
	v9 =	vadd.f32 v11, v9  }
0x81: {  	v3 =	vld [tilespmem:s21+$0x5140];
	v15 =	vadd.f32 v15, v14;
	v12 =	vmul.f32 v2, v2;
	v11 =	vadd.f32 v13, v6  }
0x82: {  	v4 =	vld [tilespmem:s21+$0x5100];
	v23 =	vadd.f32 v7, v8;
	v16 =	vmul.f32 v13, v13;
	v17 =	vadd.f32 v17, v21  }
0x83: {  	s19 =	simm.s32 $0x5190;
	v7 =	vld [tilespmem:s21+$0x5130];
	v13 =	vmul.f32 v22, v22;
	v19 =	vadd.f32 v19, v9;
	v18 =	vadd.f32 v22, v10  }
0x84: {  	s20 =	simm.s32 $0x480;
	v8 =	vld [tilespmem:s21+$0x5160];
	s21 =	sand.u32 $0xFFF0, s19;
	v14 =	vadd.f32 v20, v23;
	v6 =	vmul.f32 v1, v1;
	v10 =	vmovc v5;
	v9 =	vmov v0  }
.LBB2_6:
0x85: {  	v20 =	vmov v0  }
0x86: {  	s22 =	sshra.s32 s20, $0x2;
	p2 =	sne.s32 s20, $0xA200;
	s20 =	sadd.s32 $0x240, s20;
	v19 =	vadd.f32 v12, v19;
	v15 =	vadd.f32 v16, v15;
	v21 =	vld [tilespmem:s21+$0x80]  }
0x87: {  	v22 =	vmul.f32 v10, v5;
	v25 =	vadd.f32 v2, v17;
	v12 =	vadd.f32 v3, v18;
	v0 =	vld [tilespmem:s22+$0x5150]  }
0x88: {  	v11 =	vadd.f32 v1, v11;
	v18 =	vmul.f32 v7, v7;
	v17 =	vmov v7;
	v10 =	vld [tilespmem:s22+$0x5170]  }
0x89: {  	v16 =	vmul.f32 v20, v9;
	v23 =	vadd.f32 v4, v25;
	v20 =	vadd.f32 v5, v12;
	v1 =	vld [tilespmem:s22+$0x5120]  }
0x8a: {  	v26 =	vmul.f32 v4, v4;
	v7 =	vadd.f32 v9, v11;
	v12 =	vmul.f32 v8, v8;
	v2 =	vmovc v8;
	v24 =	vld [tilespmem:s22+$0x5110]  }
.Ltmp2:
0x8b: {  	v6 =	vadd.f32 v6, v15;
	v8 =	vadd.f32 v13, v14;
	v13 =	vmul.f32 v3, v3;
	v4 =	vld [tilespmem:s22+$0x5100];
	(pc) =	sbr.rel @p2 .LBB2_6-.Ltmp2, $4  }
0x8c: {  	s19 =	sadd.s32 $0x90, s19;
	v14 =	vadd.f32 v26, v19;
	v11 =	vadd.f32 v21, v7;
	v3 =	vld [tilespmem:s22+$0x5140];
	v9 =	vmov v0  }
0x8d: {  	v15 =	vadd.f32 v16, v6;
	v25 =	vadd.f32 v13, v8;
	v16 =	vmul.f32 v21, v21;
	v7 =	vld [tilespmem:s22+$0x5130];
	v5 =	vmovc v10  }
0x8e: {  	v17 =	vadd.f32 v17, v23;
	v19 =	vadd.f32 v18, v14;
	v6 =	vmul.f32 v1, v1  }
0x8f: {  	s21 =	sand.u32 $0xFFF0, s19;
	v14 =	vadd.f32 v22, v25;
	v18 =	vadd.f32 v24, v20;
	v13 =	vmul.f32 v24, v24;
	v8 =	vld [tilespmem:s22+$0x5160]  }
0x90: {  	v12 =	vadd.f32 v12, v19;
	v2 =	vadd.f32 v2, v17  }
0x91: {  	v15 =	vadd.f32 v16, v15;
	v10 =	vmul.f32 v10, v5;
	v1 =	vadd.f32 v1, v11  }
0x92: {  	v60 =	vld [tilespmem:s21+$0x80];
	v59 =	vadd.f32 v3, v18;
	v2 =	vadd.f32 v4, v2;
	v4 =	vmul.f32 v4, v4  }
0x93: {  	v61 =	vadd.f32 v13, v14;
	v3 =	vmul.f32 v3, v3;
	v1 =	vadd.f32 v9, v1  }
0x94: {  	_ =	swait.ge [sflag:s0], $0x10;
	v62 =	vmul.f32 v7, v7;
	v6 =	vadd.f32 v6, v15;
	v4 =	vadd.f32 v4, v12  }
0x95: {  	v0 =	vmul.f32 v0, v9;
	[sflag:s0] =	ssyncset.done $0x0;
	v5 =	vadd.f32 v5, v59;
	v3 =	vadd.f32 v3, v61  }
0x96: {  	[sflag:s0] =	ssyncadd.s32 $0xFFFFFFF0;
	v63 =	vmul.f32 v8, v8;
	v2 =	vadd.f32 v7, v2;
	v4 =	vadd.f32 v62, v4  }
0x97: {  	v0 =	vadd.f32 v0, v6;
	v7 =	vld @!p0 [tilespmem:$0x7A10];
	v6 =	vmul.f32 v60, v60;
	v3 =	vadd.f32 v10, v3  }
0x98: {  	v2 =	vadd.f32 v8, v2;
	v4 =	vadd.f32 v63, v4  }
0x99: {  	v1 =	vadd.f32 v60, v1;
	v0 =	vadd.f32 v6, v0  }
0x9a: {  	v2 =	vadd.f32 v5, v2;
	v3 =	vadd.f32 v3, v4;
	_ =	sdelay $0x1  }
0x9b: {  	v1 =	vadd.f32 v1, v2;
	v2 =	vmul.f32 @!p0 v7, v7;
	v0 =	vadd.f32 v0, v3;
	_ =	sdelay $0x1  }
0x9c: {  	v3 =	vadd.f32 @!p0 v7, v1;
	v2 =	vadd.f32 @!p0 v2, v0  }
0x9d: {  	[tilespmem:$0x9100] =	vst @p0 v1  }
0x9e: {  	[tilespmem:$0x9100] =	vst @!p0 v3;
	v0 =	vpsel p0, v0, v2  }
0x9f: {  	[tilespmem:$0x9110] =	vst v0  }
0xa0: {  	_ =	swait.ge [sflag:s4], $0xC30  }
0xa1: {  	[sflag:s4] =	ssyncset.done $0x0  }
0xa2: {  	[sflag:s4] =	ssyncadd.s32 $0xFFFFF3D0  }
0xa3: {  	_ =	swait.ge [sflag:s4], $0x10  }
0xa4: {  	[sflag:s4] =	ssyncset.done $0x0  }
0xa5: {  	s20 =	simm.s32 $0x0;
	[sflag:s4] =	ssyncadd.s32 $0xFFFFFFF0  }
0xa6: {  	v0 =	vld [tilespmem:s20+$0x7A80]  }
0xa7: {  	v2 =	vld [tilespmem:s20+$0x7A90]  }
0xa8: {  	v1 =	vld [tilespmem:s20+$0x7AB0]  }
0xa9: {  	v3 =	vld [tilespmem:s20+$0x7AC0]  }
0xaa: {  	s19 =	simm.s32 $0x140;
	v6 =	vimm.f32 $0.0e+00;
	v4 =	vimm.f32 $0.0e+00;
	v7 =	vimm.f32 $0.0e+00;
	v5 =	vld [tilespmem:s20+$0x7AA0]  }
.LBB2_8:
0xab: {  	s20 =	sshra.s32 s19, $0x2;
	p2 =	sne.s32 s19, $0x2F80  }
.Ltmp3:
0xac: {  	s19 =	sadd.s32 $0x140, s19;
	v6 =	vadd.f32 v0, v6;
	v0 =	vld [tilespmem:s20+$0x7A80];
	v7 =	vadd.f32 v2, v7;
	(pc) =	sbr.rel @p2 .LBB2_8-.Ltmp3, $4  }
0xad: {  	v2 =	vld [tilespmem:s20+$0x7A90]  }
0xae: {  	v6 =	vadd.f32 v1, v6;
	v1 =	vld [tilespmem:s20+$0x7AB0];
	v7 =	vadd.f32 v3, v7  }
0xaf: {  	v3 =	vld [tilespmem:s20+$0x7AC0];
	v4 =	vadd.f32 v5, v4  }
0xb0: {  	v5 =	vld [tilespmem:s20+$0x7AA0]  }
0xb1: {  	_ = 	snop  }
0xb2: {  	v0 =	vadd.f32 v0, v6;
	v2 =	vadd.f32 v2, v7;
	_ =	sdelay $0x1  }
0xb3: {  	v0 =	vadd.f32 v1, v0;
	v62 =	vadd.f32 v3, v2  }
0xb4: {  	v2 =	vld @!p1 [tilespmem:$0x86B0]  }
0xb5: {  	v63 =	vadd.f32 v5, v4;
	v0 =	vadd.f32 v62, v0;
	_ =	sdelay $0x1  }
0xb6: {  	v0 =	vadd.f32 v63, v0;
	_ =	sdelay $0x1  }
0xb7: {  	v1 =	vadd.f32 @!p1 v2, v0;
	_ =	sdelay $0x1  }
0xb8: {  	v0 =	vpsel p1, v0, v1  }
0xb9: {  	[tilespmem:$0x9120] =	vst v0  }
0xba: {  	[hbm4b:s14+s5] =	stream.linear.scatter [tilespmem:s2], [sflag:$0x4], $0x80, $0x38;
	[tilespmem:$0x9180] =	vst v63  }
0xbb: {  	_ =	swait.ge [sflag:s1], $0x200  }
0xbc: {  	[sflag:s1] =	ssyncset.done $0x0  }
0xbd: {  	[sflag:s1] =	ssyncadd.s32 $0xFFFFFE00  }
0xbe: {  	_ =	swait.ge [sflag:s1], $0x200  }
0xbf: {  	[sflag:s1] =	ssyncset.done $0x0  }
0xc0: {  	[sflag:s1] =	ssyncadd.s32 $0xFFFFFE00  }
0xc1: {  	_ =	swait.ge [sflag:s1], $0x200  }
0xc2: {  	[sflag:s1] =	ssyncset.done $0x0  }
0xc3: {  	[sflag:s1] =	ssyncadd.s32 $0xFFFFFE00  }
0xc4: {  	[hbm4b:s15+s5] =	stream.linear.scatter [tilespmem:s29], [sflag:$0x3], $0x200, $0x38;
	[tilespmem:$0x9180] =	vst v63  }
0xc5: {  	_ = 	snop  }
0xc6: {  	[hbm4b:s16+s5] =	stream.linear.scatter [tilespmem:s30], [sflag:$0x3], $0x200, $0x38;
	[tilespmem:$0x9180] =	vst v63  }
0xc7: {  	_ = 	snop  }
0xc8: {  	[hbm4b:s17+s5] =	stream.linear.scatter [tilespmem:s31], [sflag:$0x3], $0x200, $0x38;
	[tilespmem:$0x9180] =	vst v63  }
0xc9: {  	_ =	swait.ge [sflag:s26], $0x80  }
0xca: {  	[sflag:s26] =	ssyncset.done $0x0  }
0xcb: {  	[sflag:s26] =	ssyncadd.s32 $0xFFFFFF80  }
0xcc: {  	_ =	swait.ge [sflag:s1], $0x200  }
0xcd: {  	[sflag:s1] =	ssyncset.done $0x0  }
0xce: {  	s3 =	sadd.s32 $0x1, s3;
	[sflag:s1] =	ssyncadd.s32 $0xFFFFFE00  }
0xcf: {  	p2 =	sne.s32 s3, s18;
	_ =	swait.ge [sflag:s1], $0x200  }
.Ltmp4:
0xd0: {  	[sflag:s1] =	ssyncset.done $0x0;
	(pc) =	sbr.rel @p2 .LBB2_1-.Ltmp4, $4  }
0xd1: {  	[sflag:s1] =	ssyncadd.s32 $0xFFFFFE00  }
0xd2: {  	_ =	swait.ge [sflag:s1], $0x200  }
0xd3: {  	[sflag:s1] =	ssyncset.done $0x0  }
0xd4: {  	[sflag:s1] =	ssyncadd.s32 $0xFFFFFE00  }
0xd5: {  	_ =	sfence.sel $0x180000  }
0xd6: {  	[bflag:$0x0] =	sbarrier.arrive $0xFFFF  }
0xd7: {  	_ =	strace $0x90000047  }
0xd8: {  	s0 =	stileid.u32;
	[bflag:$0x2] =	sbarrier.arrive $0xFFFF  }
0xd9: {  	p0 =	sne.s32 s0, $0x0;
	s0 =	rddreg [dreg:$0x7]  }
0xda: {  	s0 =	sadd.s32 @!p0 $0x100000, s0  }
0xdb: {  	[sflag:s0] =	ssyncadd.tile.s32 @!p0 $0x1;
	_ =	shalt  }
.Lfunc_end2:
_tile_overlayer_lowered:
.L_overlay_start_2:
0xdc: {  	(tag) =	ssettag $0x2  }
0xdd: {  	s0 =	rddreg [dreg:$0x0];
	s2 =	stileid.u32  }
0xde: {  	s1 =	rddreg [dreg:$0x1];
	p0 =	sne.s32 s2, $0x0  }
0xdf: {  	s3 =	rddreg [dreg:$0x2];
	[bflag:$0x3] =	sbarrier.arrive $0xFFFF;
	s2 =	simm.s32 @!p0 $0x1C05  }
0xe0: {  	[timem:s3], [sflag:s2] =	dma.local @!p0 [hbm:s0], s1  }
0xe1: {  	s0 =	simm.s32 @!p0 $0x5  }
0xe2: {  	_ =	swait.ge @!p0 [sflag:s0], s1  }
0xe3: {  	s1 =	ssub.s32 @!p0 $0x0, s1;
	[sflag:s0] =	ssyncset.done @!p0 $0x0  }
0xe4: {  	[sflag:s0] =	ssyncadd.s32 @!p0 s1  }
0xe5: {  	[bflag:$0x3] =	sbarrier.arrive $0xFFFF  }
0xe6: {  	_ =	shalt  }

</sc_bundles>
